<compile_context>
chip_gen: v7x
topology: tpu7x:2x2x1
jax: 0.10.2.dev20260603
libtpu: 0.0.44.dev20260713+nightly
codegen_flags: <defaults>
</compile_context>

<pallas_src>
import functools

import jax
import jax.numpy as jnp
from jax import lax
from jax.experimental import pallas as pl
from jax.experimental.pallas import tpu as pltpu
from jax.experimental.pallas import tpu_sc as plsc

N, D, K = 18432, 64, 1024
NCH = 2
CH_N = N // NCH
BM = 2304

_SC_INFO = plsc.get_sparse_core_info()
_NW = _SC_INFO.num_cores * _SC_INFO.num_subcores
_ROWS_PER_W = CH_N // _NW
_CHUNK = 96
_NCHUNK = _ROWS_PER_W // _CHUNK
_DP = 128


def _assign_body(z_ref, c_ref, codes_ref):
    z = z_ref[...]
    c = c_ref[...]
    d = lax.dot_general(c, z * (-2.0), (((1,), (1,)), ((), ())),
                        preferred_element_type=jnp.float32)
    d = d + jnp.sum(z * z, axis=1)[None, :]
    d = d + jnp.sum(c * c, axis=1)[:, None]
    codes_ref[0, 0, :] = jnp.argmin(d, axis=0).astype(jnp.int32)


def _tc_codes(z_chunk, centers):
    grid = CH_N // BM
    codes3 = pl.pallas_call(
        _assign_body,
        grid=(grid,),
        in_specs=[
            pl.BlockSpec((BM, D), lambda i: (i, 0)),
            pl.BlockSpec((K, D), lambda i: (0, 0)),
        ],
        out_specs=pl.BlockSpec((1, 1, BM), lambda i: (i, 0, 0)),
        out_shape=jax.ShapeDtypeStruct((grid, 1, BM), jnp.int32),
    )(z_chunk, centers)
    return codes3.reshape(CH_N)


_sc_mesh = plsc.VectorSubcoreMesh(core_axis_name="c", subcore_axis_name="s")


@functools.partial(
    pl.kernel,
    mesh=_sc_mesh,
    out_type=jax.ShapeDtypeStruct((CH_N, _DP), jnp.float32),
    scratch_types=[
        pltpu.VMEM((_ROWS_PER_W,), jnp.int32),
        pltpu.VMEM((_NCHUNK, _CHUNK, _DP), jnp.float32),
        pltpu.SemaphoreType.DMA,
        pltpu.SemaphoreType.DMA,
    ],
)
def _sc_gather(codes_hbm, centers_hbm, out_hbm, idx_v, rows_v, gsem, wsem):
    wid = lax.axis_index("s") * _SC_INFO.num_cores + lax.axis_index("c")
    base = wid * _ROWS_PER_W
    pltpu.sync_copy(codes_hbm.at[pl.ds(base, _ROWS_PER_W)], idx_v)
    gathers = [
        pltpu.async_copy(centers_hbm.at[idx_v.at[pl.ds(j * _CHUNK, _CHUNK)]],
                         rows_v.at[j], gsem)
        for j in range(_NCHUNK)
    ]
    writes = []
    for j in range(_NCHUNK):
        gathers[j].wait()
        writes.append(
            pltpu.async_copy(rows_v.at[j],
                             out_hbm.at[pl.ds(base + j * _CHUNK, _CHUNK)],
                             wsem))
    for w in writes:
        w.wait()


@jax.jit
def kernel(z, centers):
    centers_p = jnp.pad(centers, ((0, 0), (0, _DP - D)))
    codes_parts, quant_parts = [], []
    for i in range(NCH):
        codes_i = _tc_codes(lax.slice_in_dim(z, i * CH_N, (i + 1) * CH_N),
                            centers)
        codes_parts.append(codes_i)
        quant_parts.append(_sc_gather(codes_i, centers_p))
    codes = jnp.concatenate(codes_parts)
    quantized = jnp.concatenate(quant_parts)[:, :D]
    return codes, quantized

# --- scband reference (transcript-rebuilt; emitter-appended) ---
"""Pipeline reference for scband-cohort-net-7584912244843 (READ-ONLY COPY).

The authoritative reference and input builder live on the scoring server;
editing this copy changes nothing except your own understanding.
"""

import jax, jax.numpy as jnp
import numpy as np


def setup_inputs(seed: int = 0) -> dict:
    key = jax.random.key(seed)
    k1, k2 = jax.random.split(key)
    z = jax.random.normal(k1, (18432, 64), dtype=jnp.float32)
    centers = jax.random.normal(k2, (1024, 64), dtype=jnp.float32)
    return {"z": z, "centers": centers}


def reference(z, centers):
    # Faithful JAX translation of compute_codes(dataset, centers) from CohortNet:
    # squared-L2 nearest-center assignment via the expansion
    #   ||x - c||^2 = -2 x.c + ||x||^2 + ||c||^2
    # The torch original chunks over points with chunk_size = int(1e8 / num_centers);
    # here num_centers=1024 -> chunk_size=97656 > N=18432, so it is a single chunk
    # and the loop degenerates to one full pass (same math, same result).
    centers_t = jnp.transpose(centers, (1, 0))
    centers_norms = jnp.sum(centers ** 2, axis=1).reshape(1, -1)
    dataset_norms = jnp.sum(z ** 2, axis=1).reshape(-1, 1)
    distances = jnp.matmul(z, centers_t)
    distances = distances * (-2.0)
    distances = distances + dataset_norms
    distances = distances + centers_norms
    codes = jnp.argmin(distances, axis=1)
    # VQ lookup of assigned cohort centers (codebook gather), as used downstream
    # to build per-point cohort codes/representations in CohortExploitationModule.
    quantized = jnp.take(centers, codes, axis=0)
    return codes, quantized

if __name__ == "__main__":
    import jax
    _d = setup_inputs()
    print(jax.jit(kernel)(*tuple(_d.values())))

</pallas_src>

<mosaic_0001>
#map = affine_map<(d0, d1) -> (0)>
#map1 = affine_map<(d0, d1) -> (0, 0)>
module attributes {stable_mosaic.version = 14 : i64} {
  func.func @_sc_gather(%arg0: i32, %arg1: i32, %arg2: memref<9216xi32, #tpu.memory_space<hbm>>, %arg3: memref<1024x128xf32, #tpu.memory_space<hbm>>, %arg4: memref<9216x128xf32, #tpu.memory_space<hbm>>, %arg5: memref<288xi32, #tpu.memory_space<vmem>>, %arg6: memref<3x96x128xf32, #tpu.memory_space<vmem>>, %arg7: memref<!tpu.dma_semaphore, #tpu.memory_space<semaphore_mem>>, %arg8: memref<!tpu.dma_semaphore, #tpu.memory_space<semaphore_mem>>) attributes {dimension_semantics = [#tpu.dimension_semantics<core_parallel>, #tpu.dimension_semantics<subcore_parallel>], iteration_bounds = array<i64: 2, 16>, scalar_prefetch = 0 : i64, scratch_operands = 4 : i64, tpu.core_type = #tpu.core_type<sc_vector_subcore>, window_params = [{transform_indices = #map}, {transform_indices = #map1}, {transform_indices = #map1}]} {
    %mul3A = arith.constant 2 : i32
    %mul3A_0 = arith.muli %arg1, %mul3A : i32
    %add3A = arith.addi %mul3A_0, %arg0 : i32
    %mul3A_1 = arith.constant 288 : i32
    %mul3A_2 = arith.muli %add3A, %mul3A_1 : i32
    "tpu.region"() ({
      %run_scoped3A = tpu.sem_alloc : memref<!tpu.dma_semaphore, #tpu.memory_space<semaphore_mem>>
      %dma_start3A_145 = tpu.memref_slice %arg2[%mul3A_2] : memref<9216xi32, #tpu.memory_space<hbm>> -> memref<288xi32, #tpu.memory_space<hbm>>
      %dma_start3A_146 = tpu.memref_slice %arg2[%mul3A_2] : memref<9216xi32, #tpu.memory_space<hbm>> -> memref<288xi32, #tpu.memory_space<hbm>>
      tpu.enqueue_dma source(%dma_start3A_146 : memref<288xi32, #tpu.memory_space<hbm>>) target(%arg5 : memref<288xi32, #tpu.memory_space<vmem>>) target_semaphore(%run_scoped3A : memref<!tpu.dma_semaphore, #tpu.memory_space<semaphore_mem>>)
      %dma_wait3A_147 = tpu.memref_slice %arg2[%mul3A_2] : memref<9216xi32, #tpu.memory_space<hbm>> -> memref<288xi32, #tpu.memory_space<hbm>>
      %dma_wait3A_148 = tpu.memref_slice %arg2[%mul3A_2] : memref<9216xi32, #tpu.memory_space<hbm>> -> memref<288xi32, #tpu.memory_space<hbm>>
      tpu.wait_dma2 semaphore(%run_scoped3A : memref<!tpu.dma_semaphore, #tpu.memory_space<semaphore_mem>>) src(%dma_wait3A_148 : memref<288xi32, #tpu.memory_space<hbm>>) dst(%arg5 : memref<288xi32, #tpu.memory_space<vmem>>)
      tpu.yield
    }) : () -> ()
    %dma_start3A = arith.constant 0 : i32
    %dma_start3A_3 = arith.constant 0 : i32
    %dma_start3A_4 = arith.constant 0 : i32
    %dma_start3A_5 = tpu.memref_slice %arg6[%dma_start3A, %dma_start3A_3, %dma_start3A_4] : memref<3x96x128xf32, #tpu.memory_space<vmem>> -> memref<1x96x128xf32, #tpu.memory_space<vmem>>
    %dma_start3A_6 = tpu.memref_squeeze %dma_start3A_5 : memref<1x96x128xf32, #tpu.memory_space<vmem>> -> memref<96x128xf32, #tpu.memory_space<vmem>>
    %dma_start3A_7 = arith.constant 0 : i32
    %dma_start3A_8 = tpu.memref_slice %arg5[%dma_start3A_7] : memref<288xi32, #tpu.memory_space<vmem>> -> memref<96xi32, #tpu.memory_space<vmem>>
    %dma_start3A_9 = arith.constant 0 : i32
    %dma_start3A_10 = arith.constant 0 : i32
    %dma_start3A_11 = tpu.memref_slice %arg3[%dma_start3A_9, %dma_start3A_10] : memref<1024x128xf32, #tpu.memory_space<hbm>> -> memref<1024x128xf32, #tpu.memory_space<hbm>>
    tpu.enqueue_indirect_dma source(%dma_start3A_11 : memref<1024x128xf32, #tpu.memory_space<hbm>>) target(%dma_start3A_6 : memref<96x128xf32, #tpu.memory_space<vmem>>) offsets(%dma_start3A_8 : memref<96xi32, #tpu.memory_space<vmem>>) semaphore(%arg7 : memref<!tpu.dma_semaphore, #tpu.memory_space<semaphore_mem>>)
    %dma_start3A_12 = arith.constant 1 : i32
    %dma_start3A_13 = arith.constant 0 : i32
    %dma_start3A_14 = arith.constant 0 : i32
    %dma_start3A_15 = tpu.memref_slice %arg6[%dma_start3A_12, %dma_start3A_13, %dma_start3A_14] : memref<3x96x128xf32, #tpu.memory_space<vmem>> -> memref<1x96x128xf32, #tpu.memory_space<vmem>>
    %dma_start3A_16 = tpu.memref_squeeze %dma_start3A_15 : memref<1x96x128xf32, #tpu.memory_space<vmem>> -> memref<96x128xf32, #tpu.memory_space<vmem>>
    %dma_start3A_17 = arith.constant 96 : i32
    %dma_start3A_18 = tpu.memref_slice %arg5[%dma_start3A_17] : memref<288xi32, #tpu.memory_space<vmem>> -> memref<96xi32, #tpu.memory_space<vmem>>
    %dma_start3A_19 = arith.constant 0 : i32
    %dma_start3A_20 = arith.constant 0 : i32
    %dma_start3A_21 = tpu.memref_slice %arg3[%dma_start3A_19, %dma_start3A_20] : memref<1024x128xf32, #tpu.memory_space<hbm>> -> memref<1024x128xf32, #tpu.memory_space<hbm>>
    tpu.enqueue_indirect_dma source(%dma_start3A_21 : memref<1024x128xf32, #tpu.memory_space<hbm>>) target(%dma_start3A_16 : memref<96x128xf32, #tpu.memory_space<vmem>>) offsets(%dma_start3A_18 : memref<96xi32, #tpu.memory_space<vmem>>) semaphore(%arg7 : memref<!tpu.dma_semaphore, #tpu.memory_space<semaphore_mem>>)
    %dma_start3A_22 = arith.constant 2 : i32
    %dma_start3A_23 = arith.constant 0 : i32
    %dma_start3A_24 = arith.constant 0 : i32
    %dma_start3A_25 = tpu.memref_slice %arg6[%dma_start3A_22, %dma_start3A_23, %dma_start3A_24] : memref<3x96x128xf32, #tpu.memory_space<vmem>> -> memref<1x96x128xf32, #tpu.memory_space<vmem>>
    %dma_start3A_26 = tpu.memref_squeeze %dma_start3A_25 : memref<1x96x128xf32, #tpu.memory_space<vmem>> -> memref<96x128xf32, #tpu.memory_space<vmem>>
    %dma_start3A_27 = arith.constant 192 : i32
    %dma_start3A_28 = tpu.memref_slice %arg5[%dma_start3A_27] : memref<288xi32, #tpu.memory_space<vmem>> -> memref<96xi32, #tpu.memory_space<vmem>>
    %dma_start3A_29 = arith.constant 0 : i32
    %dma_start3A_30 = arith.constant 0 : i32
    %dma_start3A_31 = tpu.memref_slice %arg3[%dma_start3A_29, %dma_start3A_30] : memref<1024x128xf32, #tpu.memory_space<hbm>> -> memref<1024x128xf32, #tpu.memory_space<hbm>>
    tpu.enqueue_indirect_dma source(%dma_start3A_31 : memref<1024x128xf32, #tpu.memory_space<hbm>>) target(%dma_start3A_26 : memref<96x128xf32, #tpu.memory_space<vmem>>) offsets(%dma_start3A_28 : memref<96xi32, #tpu.memory_space<vmem>>) semaphore(%arg7 : memref<!tpu.dma_semaphore, #tpu.memory_space<semaphore_mem>>)
    %dma_wait3A = arith.constant 0 : i32
    %dma_wait3A_32 = arith.constant 0 : i32
    %dma_wait3A_33 = arith.constant 0 : i32
    %dma_wait3A_34 = tpu.memref_slice %arg6[%dma_wait3A, %dma_wait3A_32, %dma_wait3A_33] : memref<3x96x128xf32, #tpu.memory_space<vmem>> -> memref<1x96x128xf32, #tpu.memory_space<vmem>>
    %dma_wait3A_35 = tpu.memref_squeeze %dma_wait3A_34 : memref<1x96x128xf32, #tpu.memory_space<vmem>> -> memref<96x128xf32, #tpu.memory_space<vmem>>
    %dma_wait3A_36 = arith.constant 0 : i32
    %dma_wait3A_37 = tpu.memref_slice %arg5[%dma_wait3A_36] : memref<288xi32, #tpu.memory_space<vmem>> -> memref<96xi32, #tpu.memory_space<vmem>>
    %dma_wait3A_38 = arith.constant 0 : i32
    %dma_wait3A_39 = arith.constant 0 : i32
    %dma_wait3A_40 = tpu.memref_slice %arg3[%dma_wait3A_38, %dma_wait3A_39] : memref<1024x128xf32, #tpu.memory_space<hbm>> -> memref<1024x128xf32, #tpu.memory_space<hbm>>
    tpu.wait_indirect_dma semaphore(%arg7 : memref<!tpu.dma_semaphore, #tpu.memory_space<semaphore_mem>>) src(%dma_wait3A_40 : memref<1024x128xf32, #tpu.memory_space<hbm>>) dst(%dma_wait3A_35 : memref<96x128xf32, #tpu.memory_space<vmem>>)
    %add3A_41 = arith.constant 0 : i32
    %add3A_42 = arith.addi %mul3A_2, %add3A_41 : i32
    %dma_start3A_43 = arith.constant 0 : i32
    %dma_start3A_44 = arith.constant 0 : i32
    %dma_start3A_45 = arith.constant 0 : i32
    %dma_start3A_46 = tpu.memref_slice %arg6[%dma_start3A_43, %dma_start3A_44, %dma_start3A_45] : memref<3x96x128xf32, #tpu.memory_space<vmem>> -> memref<1x96x128xf32, #tpu.memory_space<vmem>>
    %dma_start3A_47 = tpu.memref_squeeze %dma_start3A_46 : memref<1x96x128xf32, #tpu.memory_space<vmem>> -> memref<96x128xf32, #tpu.memory_space<vmem>>
    %dma_start3A_48 = arith.constant 0 : i32
    %dma_start3A_49 = tpu.memref_slice %arg4[%add3A_42, %dma_start3A_48] : memref<9216x128xf32, #tpu.memory_space<hbm>> -> memref<96x128xf32, #tpu.memory_space<hbm>>
    %dma_start3A_50 = arith.constant 0 : i32
    %dma_start3A_51 = tpu.memref_slice %arg4[%add3A_42, %dma_start3A_50] : memref<9216x128xf32, #tpu.memory_space<hbm>> -> memref<96x128xf32, #tpu.memory_space<hbm>>
    %dma_start3A_52 = arith.constant 0 : i32
    %dma_start3A_53 = arith.constant 0 : i32
    %dma_start3A_54 = tpu.memref_slice %arg6[%dma_start3A_43, %dma_start3A_52, %dma_start3A_53] : memref<3x96x128xf32, #tpu.memory_space<vmem>> -> memref<1x96x128xf32, #tpu.memory_space<vmem>>
    %dma_start3A_55 = tpu.memref_squeeze %dma_start3A_54 : memref<1x96x128xf32, #tpu.memory_space<vmem>> -> memref<96x128xf32, #tpu.memory_space<vmem>>
    tpu.enqueue_dma source(%dma_start3A_55 : memref<96x128xf32, #tpu.memory_space<vmem>>) target(%dma_start3A_51 : memref<96x128xf32, #tpu.memory_space<hbm>>) target_semaphore(%arg8 : memref<!tpu.dma_semaphore, #tpu.memory_space<semaphore_mem>>)
    %dma_wait3A_56 = arith.constant 1 : i32
    %dma_wait3A_57 = arith.constant 0 : i32
    %dma_wait3A_58 = arith.constant 0 : i32
    %dma_wait3A_59 = tpu.memref_slice %arg6[%dma_wait3A_56, %dma_wait3A_57, %dma_wait3A_58] : memref<3x96x128xf32, #tpu.memory_space<vmem>> -> memref<1x96x128xf32, #tpu.memory_space<vmem>>
    %dma_wait3A_60 = tpu.memref_squeeze %dma_wait3A_59 : memref<1x96x128xf32, #tpu.memory_space<vmem>> -> memref<96x128xf32, #tpu.memory_space<vmem>>
    %dma_wait3A_61 = arith.constant 96 : i32
    %dma_wait3A_62 = tpu.memref_slice %arg5[%dma_wait3A_61] : memref<288xi32, #tpu.memory_space<vmem>> -> memref<96xi32, #tpu.memory_space<vmem>>
    %dma_wait3A_63 = arith.constant 0 : i32
    %dma_wait3A_64 = arith.constant 0 : i32
    %dma_wait3A_65 = tpu.memref_slice %arg3[%dma_wait3A_63, %dma_wait3A_64] : memref<1024x128xf32, #tpu.memory_space<hbm>> -> memref<1024x128xf32, #tpu.memory_space<hbm>>
    tpu.wait_indirect_dma semaphore(%arg7 : memref<!tpu.dma_semaphore, #tpu.memory_space<semaphore_mem>>) src(%dma_wait3A_65 : memref<1024x128xf32, #tpu.memory_space<hbm>>) dst(%dma_wait3A_60 : memref<96x128xf32, #tpu.memory_space<vmem>>)
    %add3A_66 = arith.constant 96 : i32
    %add3A_67 = arith.addi %mul3A_2, %add3A_66 : i32
    %dma_start3A_68 = arith.constant 1 : i32
    %dma_start3A_69 = arith.constant 0 : i32
    %dma_start3A_70 = arith.constant 0 : i32
    %dma_start3A_71 = tpu.memref_slice %arg6[%dma_start3A_68, %dma_start3A_69, %dma_start3A_70] : memref<3x96x128xf32, #tpu.memory_space<vmem>> -> memref<1x96x128xf32, #tpu.memory_space<vmem>>
    %dma_start3A_72 = tpu.memref_squeeze %dma_start3A_71 : memref<1x96x128xf32, #tpu.memory_space<vmem>> -> memref<96x128xf32, #tpu.memory_space<vmem>>
    %dma_start3A_73 = arith.constant 0 : i32
    %dma_start3A_74 = tpu.memref_slice %arg4[%add3A_67, %dma_start3A_73] : memref<9216x128xf32, #tpu.memory_space<hbm>> -> memref<96x128xf32, #tpu.memory_space<hbm>>
    %dma_start3A_75 = arith.constant 0 : i32
    %dma_start3A_76 = tpu.memref_slice %arg4[%add3A_67, %dma_start3A_75] : memref<9216x128xf32, #tpu.memory_space<hbm>> -> memref<96x128xf32, #tpu.memory_space<hbm>>
    %dma_start3A_77 = arith.constant 0 : i32
    %dma_start3A_78 = arith.constant 0 : i32
    %dma_start3A_79 = tpu.memref_slice %arg6[%dma_start3A_68, %dma_start3A_77, %dma_start3A_78] : memref<3x96x128xf32, #tpu.memory_space<vmem>> -> memref<1x96x128xf32, #tpu.memory_space<vmem>>
    %dma_start3A_80 = tpu.memref_squeeze %dma_start3A_79 : memref<1x96x128xf32, #tpu.memory_space<vmem>> -> memref<96x128xf32, #tpu.memory_space<vmem>>
    tpu.enqueue_dma source(%dma_start3A_80 : memref<96x128xf32, #tpu.memory_space<vmem>>) target(%dma_start3A_76 : memref<96x128xf32, #tpu.memory_space<hbm>>) target_semaphore(%arg8 : memref<!tpu.dma_semaphore, #tpu.memory_space<semaphore_mem>>)
    %dma_wait3A_81 = arith.constant 2 : i32
    %dma_wait3A_82 = arith.constant 0 : i32
    %dma_wait3A_83 = arith.constant 0 : i32
    %dma_wait3A_84 = tpu.memref_slice %arg6[%dma_wait3A_81, %dma_wait3A_82, %dma_wait3A_83] : memref<3x96x128xf32, #tpu.memory_space<vmem>> -> memref<1x96x128xf32, #tpu.memory_space<vmem>>
    %dma_wait3A_85 = tpu.memref_squeeze %dma_wait3A_84 : memref<1x96x128xf32, #tpu.memory_space<vmem>> -> memref<96x128xf32, #tpu.memory_space<vmem>>
    %dma_wait3A_86 = arith.constant 192 : i32
    %dma_wait3A_87 = tpu.memref_slice %arg5[%dma_wait3A_86] : memref<288xi32, #tpu.memory_space<vmem>> -> memref<96xi32, #tpu.memory_space<vmem>>
    %dma_wait3A_88 = arith.constant 0 : i32
    %dma_wait3A_89 = arith.constant 0 : i32
    %dma_wait3A_90 = tpu.memref_slice %arg3[%dma_wait3A_88, %dma_wait3A_89] : memref<1024x128xf32, #tpu.memory_space<hbm>> -> memref<1024x128xf32, #tpu.memory_space<hbm>>
    tpu.wait_indirect_dma semaphore(%arg7 : memref<!tpu.dma_semaphore, #tpu.memory_space<semaphore_mem>>) src(%dma_wait3A_90 : memref<1024x128xf32, #tpu.memory_space<hbm>>) dst(%dma_wait3A_85 : memref<96x128xf32, #tpu.memory_space<vmem>>)
    %add3A_91 = arith.constant 192 : i32
    %add3A_92 = arith.addi %mul3A_2, %add3A_91 : i32
    %dma_start3A_93 = arith.constant 2 : i32
    %dma_start3A_94 = arith.constant 0 : i32
    %dma_start3A_95 = arith.constant 0 : i32
    %dma_start3A_96 = tpu.memref_slice %arg6[%dma_start3A_93, %dma_start3A_94, %dma_start3A_95] : memref<3x96x128xf32, #tpu.memory_space<vmem>> -> memref<1x96x128xf32, #tpu.memory_space<vmem>>
    %dma_start3A_97 = tpu.memref_squeeze %dma_start3A_96 : memref<1x96x128xf32, #tpu.memory_space<vmem>> -> memref<96x128xf32, #tpu.memory_space<vmem>>
    %dma_start3A_98 = arith.constant 0 : i32
    %dma_start3A_99 = tpu.memref_slice %arg4[%add3A_92, %dma_start3A_98] : memref<9216x128xf32, #tpu.memory_space<hbm>> -> memref<96x128xf32, #tpu.memory_space<hbm>>
    %dma_start3A_100 = arith.constant 0 : i32
    %dma_start3A_101 = tpu.memref_slice %arg4[%add3A_92, %dma_start3A_100] : memref<9216x128xf32, #tpu.memory_space<hbm>> -> memref<96x128xf32, #tpu.memory_space<hbm>>
    %dma_start3A_102 = arith.constant 0 : i32
    %dma_start3A_103 = arith.constant 0 : i32
    %dma_start3A_104 = tpu.memref_slice %arg6[%dma_start3A_93, %dma_start3A_102, %dma_start3A_103] : memref<3x96x128xf32, #tpu.memory_space<vmem>> -> memref<1x96x128xf32, #tpu.memory_space<vmem>>
    %dma_start3A_105 = tpu.memref_squeeze %dma_start3A_104 : memref<1x96x128xf32, #tpu.memory_space<vmem>> -> memref<96x128xf32, #tpu.memory_space<vmem>>
    tpu.enqueue_dma source(%dma_start3A_105 : memref<96x128xf32, #tpu.memory_space<vmem>>) target(%dma_start3A_101 : memref<96x128xf32, #tpu.memory_space<hbm>>) target_semaphore(%arg8 : memref<!tpu.dma_semaphore, #tpu.memory_space<semaphore_mem>>)
    %dma_wait3A_106 = arith.constant 0 : i32
    %dma_wait3A_107 = arith.constant 0 : i32
    %dma_wait3A_108 = arith.constant 0 : i32
    %dma_wait3A_109 = tpu.memref_slice %arg6[%dma_wait3A_106, %dma_wait3A_107, %dma_wait3A_108] : memref<3x96x128xf32, #tpu.memory_space<vmem>> -> memref<1x96x128xf32, #tpu.memory_space<vmem>>
    %dma_wait3A_110 = tpu.memref_squeeze %dma_wait3A_109 : memref<1x96x128xf32, #tpu.memory_space<vmem>> -> memref<96x128xf32, #tpu.memory_space<vmem>>
    %dma_wait3A_111 = arith.constant 0 : i32
    %dma_wait3A_112 = tpu.memref_slice %arg4[%add3A_42, %dma_wait3A_111] : memref<9216x128xf32, #tpu.memory_space<hbm>> -> memref<96x128xf32, #tpu.memory_space<hbm>>
    %dma_wait3A_113 = arith.constant 0 : i32
    %dma_wait3A_114 = tpu.memref_slice %arg4[%add3A_42, %dma_wait3A_113] : memref<9216x128xf32, #tpu.memory_space<hbm>> -> memref<96x128xf32, #tpu.memory_space<hbm>>
    %dma_wait3A_115 = arith.constant 0 : i32
    %dma_wait3A_116 = arith.constant 0 : i32
    %dma_wait3A_117 = tpu.memref_slice %arg6[%dma_wait3A_106, %dma_wait3A_115, %dma_wait3A_116] : memref<3x96x128xf32, #tpu.memory_space<vmem>> -> memref<1x96x128xf32, #tpu.memory_space<vmem>>
    %dma_wait3A_118 = tpu.memref_squeeze %dma_wait3A_117 : memref<1x96x128xf32, #tpu.memory_space<vmem>> -> memref<96x128xf32, #tpu.memory_space<vmem>>
    tpu.wait_dma2 semaphore(%arg8 : memref<!tpu.dma_semaphore, #tpu.memory_space<semaphore_mem>>) src(%dma_wait3A_118 : memref<96x128xf32, #tpu.memory_space<vmem>>) dst(%dma_wait3A_114 : memref<96x128xf32, #tpu.memory_space<hbm>>)
    %dma_wait3A_119 = arith.constant 1 : i32
    %dma_wait3A_120 = arith.constant 0 : i32
    %dma_wait3A_121 = arith.constant 0 : i32
    %dma_wait3A_122 = tpu.memref_slice %arg6[%dma_wait3A_119, %dma_wait3A_120, %dma_wait3A_121] : memref<3x96x128xf32, #tpu.memory_space<vmem>> -> memref<1x96x128xf32, #tpu.memory_space<vmem>>
    %dma_wait3A_123 = tpu.memref_squeeze %dma_wait3A_122 : memref<1x96x128xf32, #tpu.memory_space<vmem>> -> memref<96x128xf32, #tpu.memory_space<vmem>>
    %dma_wait3A_124 = arith.constant 0 : i32
    %dma_wait3A_125 = tpu.memref_slice %arg4[%add3A_67, %dma_wait3A_124] : memref<9216x128xf32, #tpu.memory_space<hbm>> -> memref<96x128xf32, #tpu.memory_space<hbm>>
    %dma_wait3A_126 = arith.constant 0 : i32
    %dma_wait3A_127 = tpu.memref_slice %arg4[%add3A_67, %dma_wait3A_126] : memref<9216x128xf32, #tpu.memory_space<hbm>> -> memref<96x128xf32, #tpu.memory_space<hbm>>
    %dma_wait3A_128 = arith.constant 0 : i32
    %dma_wait3A_129 = arith.constant 0 : i32
    %dma_wait3A_130 = tpu.memref_slice %arg6[%dma_wait3A_119, %dma_wait3A_128, %dma_wait3A_129] : memref<3x96x128xf32, #tpu.memory_space<vmem>> -> memref<1x96x128xf32, #tpu.memory_space<vmem>>
    %dma_wait3A_131 = tpu.memref_squeeze %dma_wait3A_130 : memref<1x96x128xf32, #tpu.memory_space<vmem>> -> memref<96x128xf32, #tpu.memory_space<vmem>>
    tpu.wait_dma2 semaphore(%arg8 : memref<!tpu.dma_semaphore, #tpu.memory_space<semaphore_mem>>) src(%dma_wait3A_131 : memref<96x128xf32, #tpu.memory_space<vmem>>) dst(%dma_wait3A_127 : memref<96x128xf32, #tpu.memory_space<hbm>>)
    %dma_wait3A_132 = arith.constant 2 : i32
    %dma_wait3A_133 = arith.constant 0 : i32
    %dma_wait3A_134 = arith.constant 0 : i32
    %dma_wait3A_135 = tpu.memref_slice %arg6[%dma_wait3A_132, %dma_wait3A_133, %dma_wait3A_134] : memref<3x96x128xf32, #tpu.memory_space<vmem>> -> memref<1x96x128xf32, #tpu.memory_space<vmem>>
    %dma_wait3A_136 = tpu.memref_squeeze %dma_wait3A_135 : memref<1x96x128xf32, #tpu.memory_space<vmem>> -> memref<96x128xf32, #tpu.memory_space<vmem>>
    %dma_wait3A_137 = arith.constant 0 : i32
    %dma_wait3A_138 = tpu.memref_slice %arg4[%add3A_92, %dma_wait3A_137] : memref<9216x128xf32, #tpu.memory_space<hbm>> -> memref<96x128xf32, #tpu.memory_space<hbm>>
    %dma_wait3A_139 = arith.constant 0 : i32
    %dma_wait3A_140 = tpu.memref_slice %arg4[%add3A_92, %dma_wait3A_139] : memref<9216x128xf32, #tpu.memory_space<hbm>> -> memref<96x128xf32, #tpu.memory_space<hbm>>
    %dma_wait3A_141 = arith.constant 0 : i32
    %dma_wait3A_142 = arith.constant 0 : i32
    %dma_wait3A_143 = tpu.memref_slice %arg6[%dma_wait3A_132, %dma_wait3A_141, %dma_wait3A_142] : memref<3x96x128xf32, #tpu.memory_space<vmem>> -> memref<1x96x128xf32, #tpu.memory_space<vmem>>
    %dma_wait3A_144 = tpu.memref_squeeze %dma_wait3A_143 : memref<1x96x128xf32, #tpu.memory_space<vmem>> -> memref<96x128xf32, #tpu.memory_space<vmem>>
    tpu.wait_dma2 semaphore(%arg8 : memref<!tpu.dma_semaphore, #tpu.memory_space<semaphore_mem>>) src(%dma_wait3A_144 : memref<96x128xf32, #tpu.memory_space<vmem>>) dst(%dma_wait3A_140 : memref<96x128xf32, #tpu.memory_space<hbm>>)
    return
  }
}

#map = affine_map<(d0, d1) -> (0)>
#map1 = affine_map<(d0, d1) -> (0, 0)>
module attributes {stable_mosaic.version = 14 : i64} {
  func.func @_sc_gather(%arg0: i32, %arg1: i32, %arg2: memref<9216xi32, #tpu.memory_space<hbm>>, %arg3: memref<1024x128xf32, #tpu.memory_space<hbm>>, %arg4: memref<9216x128xf32, #tpu.memory_space<hbm>>, %arg5: memref<288xi32, #tpu.memory_space<vmem>>, %arg6: memref<3x96x128xf32, #tpu.memory_space<vmem>>, %arg7: memref<!tpu.dma_semaphore, #tpu.memory_space<semaphore_mem>>, %arg8: memref<!tpu.dma_semaphore, #tpu.memory_space<semaphore_mem>>) attributes {dimension_semantics = [#tpu.dimension_semantics<core_parallel>, #tpu.dimension_semantics<subcore_parallel>], iteration_bounds = array<i64: 2, 16>, scalar_prefetch = 0 : i64, scratch_operands = 4 : i64, tpu.core_type = #tpu.core_type<sc_vector_subcore>, window_params = [{transform_indices = #map}, {transform_indices = #map1}, {transform_indices = #map1}]} {
    %mul3A = arith.constant 2 : i32
    %mul3A_0 = arith.muli %arg1, %mul3A : i32
    %add3A = arith.addi %mul3A_0, %arg0 : i32
    %mul3A_1 = arith.constant 288 : i32
    %mul3A_2 = arith.muli %add3A, %mul3A_1 : i32
    "tpu.region"() ({
      %run_scoped3A = tpu.sem_alloc : memref<!tpu.dma_semaphore, #tpu.memory_space<semaphore_mem>>
      %dma_start3A_145 = tpu.memref_slice %arg2[%mul3A_2] : memref<9216xi32, #tpu.memory_space<hbm>> -> memref<288xi32, #tpu.memory_space<hbm>>
      %dma_start3A_146 = tpu.memref_slice %arg2[%mul3A_2] : memref<9216xi32, #tpu.memory_space<hbm>> -> memref<288xi32, #tpu.memory_space<hbm>>
      tpu.enqueue_dma source(%dma_start3A_146 : memref<288xi32, #tpu.memory_space<hbm>>) target(%arg5 : memref<288xi32, #tpu.memory_space<vmem>>) target_semaphore(%run_scoped3A : memref<!tpu.dma_semaphore, #tpu.memory_space<semaphore_mem>>)
      %dma_wait3A_147 = tpu.memref_slice %arg2[%mul3A_2] : memref<9216xi32, #tpu.memory_space<hbm>> -> memref<288xi32, #tpu.memory_space<hbm>>
      %dma_wait3A_148 = tpu.memref_slice %arg2[%mul3A_2] : memref<9216xi32, #tpu.memory_space<hbm>> -> memref<288xi32, #tpu.memory_space<hbm>>
      tpu.wait_dma2 semaphore(%run_scoped3A : memref<!tpu.dma_semaphore, #tpu.memory_space<semaphore_mem>>) src(%dma_wait3A_148 : memref<288xi32, #tpu.memory_space<hbm>>) dst(%arg5 : memref<288xi32, #tpu.memory_space<vmem>>)
      tpu.yield
    }) : () -> ()
    %dma_start3A = arith.constant 0 : i32
    %dma_start3A_3 = arith.constant 0 : i32
    %dma_start3A_4 = arith.constant 0 : i32
    %dma_start3A_5 = tpu.memref_slice %arg6[%dma_start3A, %dma_start3A_3, %dma_start3A_4] : memref<3x96x128xf32, #tpu.memory_space<vmem>> -> memref<1x96x128xf32, #tpu.memory_space<vmem>>
    %dma_start3A_6 = tpu.memref_squeeze %dma_start3A_5 : memref<1x96x128xf32, #tpu.memory_space<vmem>> -> memref<96x128xf32, #tpu.memory_space<vmem>>
    %dma_start3A_7 = arith.constant 0 : i32
    %dma_start3A_8 = tpu.memref_slice %arg5[%dma_start3A_7] : memref<288xi32, #tpu.memory_space<vmem>> -> memref<96xi32, #tpu.memory_space<vmem>>
    %dma_start3A_9 = arith.constant 0 : i32
    %dma_start3A_10 = arith.constant 0 : i32
    %dma_start3A_11 = tpu.memref_slice %arg3[%dma_start3A_9, %dma_start3A_10] : memref<1024x128xf32, #tpu.memory_space<hbm>> -> memref<1024x128xf32, #tpu.memory_space<hbm>>
    tpu.enqueue_indirect_dma source(%dma_start3A_11 : memref<1024x128xf32, #tpu.memory_space<hbm>>) target(%dma_start3A_6 : memref<96x128xf32, #tpu.memory_space<vmem>>) offsets(%dma_start3A_8 : memref<96xi32, #tpu.memory_space<vmem>>) semaphore(%arg7 : memref<!tpu.dma_semaphore, #tpu.memory_space<semaphore_mem>>)
    %dma_start3A_12 = arith.constant 1 : i32
    %dma_start3A_13 = arith.constant 0 : i32
    %dma_start3A_14 = arith.constant 0 : i32
    %dma_start3A_15 = tpu.memref_slice %arg6[%dma_start3A_12, %dma_start3A_13, %dma_start3A_14] : memref<3x96x128xf32, #tpu.memory_space<vmem>> -> memref<1x96x128xf32, #tpu.memory_space<vmem>>
    %dma_start3A_16 = tpu.memref_squeeze %dma_start3A_15 : memref<1x96x128xf32, #tpu.memory_space<vmem>> -> memref<96x128xf32, #tpu.memory_space<vmem>>
    %dma_start3A_17 = arith.constant 96 : i32
    %dma_start3A_18 = tpu.memref_slice %arg5[%dma_start3A_17] : memref<288xi32, #tpu.memory_space<vmem>> -> memref<96xi32, #tpu.memory_space<vmem>>
    %dma_start3A_19 = arith.constant 0 : i32
    %dma_start3A_20 = arith.constant 0 : i32
    %dma_start3A_21 = tpu.memref_slice %arg3[%dma_start3A_19, %dma_start3A_20] : memref<1024x128xf32, #tpu.memory_space<hbm>> -> memref<1024x128xf32, #tpu.memory_space<hbm>>
    tpu.enqueue_indirect_dma source(%dma_start3A_21 : memref<1024x128xf32, #tpu.memory_space<hbm>>) target(%dma_start3A_16 : memref<96x128xf32, #tpu.memory_space<vmem>>) offsets(%dma_start3A_18 : memref<96xi32, #tpu.memory_space<vmem>>) semaphore(%arg7 : memref<!tpu.dma_semaphore, #tpu.memory_space<semaphore_mem>>)
    %dma_start3A_22 = arith.constant 2 : i32
    %dma_start3A_23 = arith.constant 0 : i32
    %dma_start3A_24 = arith.constant 0 : i32
    %dma_start3A_25 = tpu.memref_slice %arg6[%dma_start3A_22, %dma_start3A_23, %dma_start3A_24] : memref<3x96x128xf32, #tpu.memory_space<vmem>> -> memref<1x96x128xf32, #tpu.memory_space<vmem>>
    %dma_start3A_26 = tpu.memref_squeeze %dma_start3A_25 : memref<1x96x128xf32, #tpu.memory_space<vmem>> -> memref<96x128xf32, #tpu.memory_space<vmem>>
    %dma_start3A_27 = arith.constant 192 : i32
    %dma_start3A_28 = tpu.memref_slice %arg5[%dma_start3A_27] : memref<288xi32, #tpu.memory_space<vmem>> -> memref<96xi32, #tpu.memory_space<vmem>>
    %dma_start3A_29 = arith.constant 0 : i32
    %dma_start3A_30 = arith.constant 0 : i32
    %dma_start3A_31 = tpu.memref_slice %arg3[%dma_start3A_29, %dma_start3A_30] : memref<1024x128xf32, #tpu.memory_space<hbm>> -> memref<1024x128xf32, #tpu.memory_space<hbm>>
    tpu.enqueue_indirect_dma source(%dma_start3A_31 : memref<1024x128xf32, #tpu.memory_space<hbm>>) target(%dma_start3A_26 : memref<96x128xf32, #tpu.memory_space<vmem>>) offsets(%dma_start3A_28 : memref<96xi32, #tpu.memory_space<vmem>>) semaphore(%arg7 : memref<!tpu.dma_semaphore, #tpu.memory_space<semaphore_mem>>)
    %dma_wait3A = arith.constant 0 : i32
    %dma_wait3A_32 = arith.constant 0 : i32
    %dma_wait3A_33 = arith.constant 0 : i32
    %dma_wait3A_34 = tpu.memref_slice %arg6[%dma_wait3A, %dma_wait3A_32, %dma_wait3A_33] : memref<3x96x128xf32, #tpu.memory_space<vmem>> -> memref<1x96x128xf32, #tpu.memory_space<vmem>>
    %dma_wait3A_35 = tpu.memref_squeeze %dma_wait3A_34 : memref<1x96x128xf32, #tpu.memory_space<vmem>> -> memref<96x128xf32, #tpu.memory_space<vmem>>
    %dma_wait3A_36 = arith.constant 0 : i32
    %dma_wait3A_37 = tpu.memref_slice %arg5[%dma_wait3A_36] : memref<288xi32, #tpu.memory_space<vmem>> -> memref<96xi32, #tpu.memory_space<vmem>>
    %dma_wait3A_38 = arith.constant 0 : i32
    %dma_wait3A_39 = arith.constant 0 : i32
    %dma_wait3A_40 = tpu.memref_slice %arg3[%dma_wait3A_38, %dma_wait3A_39] : memref<1024x128xf32, #tpu.memory_space<hbm>> -> memref<1024x128xf32, #tpu.memory_space<hbm>>
    tpu.wait_indirect_dma semaphore(%arg7 : memref<!tpu.dma_semaphore, #tpu.memory_space<semaphore_mem>>) src(%dma_wait3A_40 : memref<1024x128xf32, #tpu.memory_space<hbm>>) dst(%dma_wait3A_35 : memref<96x128xf32, #tpu.memory_space<vmem>>)
    %add3A_41 = arith.constant 0 : i32
    %add3A_42 = arith.addi %mul3A_2, %add3A_41 : i32
    %dma_start3A_43 = arith.constant 0 : i32
    %dma_start3A_44 = arith.constant 0 : i32
    %dma_start3A_45 = arith.constant 0 : i32
    %dma_start3A_46 = tpu.memref_slice %arg6[%dma_start3A_43, %dma_start3A_44, %dma_start3A_45] : memref<3x96x128xf32, #tpu.memory_space<vmem>> -> memref<1x96x128xf32, #tpu.memory_space<vmem>>
    %dma_start3A_47 = tpu.memref_squeeze %dma_start3A_46 : memref<1x96x128xf32, #tpu.memory_space<vmem>> -> memref<96x128xf32, #tpu.memory_space<vmem>>
    %dma_start3A_48 = arith.constant 0 : i32
    %dma_start3A_49 = tpu.memref_slice %arg4[%add3A_42, %dma_start3A_48] : memref<9216x128xf32, #tpu.memory_space<hbm>> -> memref<96x128xf32, #tpu.memory_space<hbm>>
    %dma_start3A_50 = arith.constant 0 : i32
    %dma_start3A_51 = tpu.memref_slice %arg4[%add3A_42, %dma_start3A_50] : memref<9216x128xf32, #tpu.memory_space<hbm>> -> memref<96x128xf32, #tpu.memory_space<hbm>>
    %dma_start3A_52 = arith.constant 0 : i32
    %dma_start3A_53 = arith.constant 0 : i32
    %dma_start3A_54 = tpu.memref_slice %arg6[%dma_start3A_43, %dma_start3A_52, %dma_start3A_53] : memref<3x96x128xf32, #tpu.memory_space<vmem>> -> memref<1x96x128xf32, #tpu.memory_space<vmem>>
    %dma_start3A_55 = tpu.memref_squeeze %dma_start3A_54 : memref<1x96x128xf32, #tpu.memory_space<vmem>> -> memref<96x128xf32, #tpu.memory_space<vmem>>
    tpu.enqueue_dma source(%dma_start3A_55 : memref<96x128xf32, #tpu.memory_space<vmem>>) target(%dma_start3A_51 : memref<96x128xf32, #tpu.memory_space<hbm>>) target_semaphore(%arg8 : memref<!tpu.dma_semaphore, #tpu.memory_space<semaphore_mem>>)
    %dma_wait3A_56 = arith.constant 1 : i32
    %dma_wait3A_57 = arith.constant 0 : i32
    %dma_wait3A_58 = arith.constant 0 : i32
    %dma_wait3A_59 = tpu.memref_slice %arg6[%dma_wait3A_56, %dma_wait3A_57, %dma_wait3A_58] : memref<3x96x128xf32, #tpu.memory_space<vmem>> -> memref<1x96x128xf32, #tpu.memory_space<vmem>>
    %dma_wait3A_60 = tpu.memref_squeeze %dma_wait3A_59 : memref<1x96x128xf32, #tpu.memory_space<vmem>> -> memref<96x128xf32, #tpu.memory_space<vmem>>
    %dma_wait3A_61 = arith.constant 96 : i32
    %dma_wait3A_62 = tpu.memref_slice %arg5[%dma_wait3A_61] : memref<288xi32, #tpu.memory_space<vmem>> -> memref<96xi32, #tpu.memory_space<vmem>>
    %dma_wait3A_63 = arith.constant 0 : i32
    %dma_wait3A_64 = arith.constant 0 : i32
    %dma_wait3A_65 = tpu.memref_slice %arg3[%dma_wait3A_63, %dma_wait3A_64] : memref<1024x128xf32, #tpu.memory_space<hbm>> -> memref<1024x128xf32, #tpu.memory_space<hbm>>
    tpu.wait_indirect_dma semaphore(%arg7 : memref<!tpu.dma_semaphore, #tpu.memory_space<semaphore_mem>>) src(%dma_wait3A_65 : memref<1024x128xf32, #tpu.memory_space<hbm>>) dst(%dma_wait3A_60 : memref<96x128xf32, #tpu.memory_space<vmem>>)
    %add3A_66 = arith.constant 96 : i32
    %add3A_67 = arith.addi %mul3A_2, %add3A_66 : i32
    %dma_start3A_68 = arith.constant 1 : i32
    %dma_start3A_69 = arith.constant 0 : i32
    %dma_start3A_70 = arith.constant 0 : i32
    %dma_start3A_71 = tpu.memref_slice %arg6[%dma_start3A_68, %dma_start3A_69, %dma_start3A_70] : memref<3x96x128xf32, #tpu.memory_space<vmem>> -> memref<1x96x128xf32, #tpu.memory_space<vmem>>
    %dma_start3A_72 = tpu.memref_squeeze %dma_start3A_71 : memref<1x96x128xf32, #tpu.memory_space<vmem>> -> memref<96x128xf32, #tpu.memory_space<vmem>>
    %dma_start3A_73 = arith.constant 0 : i32
    %dma_start3A_74 = tpu.memref_slice %arg4[%add3A_67, %dma_start3A_73] : memref<9216x128xf32, #tpu.memory_space<hbm>> -> memref<96x128xf32, #tpu.memory_space<hbm>>
    %dma_start3A_75 = arith.constant 0 : i32
    %dma_start3A_76 = tpu.memref_slice %arg4[%add3A_67, %dma_start3A_75] : memref<9216x128xf32, #tpu.memory_space<hbm>> -> memref<96x128xf32, #tpu.memory_space<hbm>>
    %dma_start3A_77 = arith.constant 0 : i32
    %dma_start3A_78 = arith.constant 0 : i32
    %dma_start3A_79 = tpu.memref_slice %arg6[%dma_start3A_68, %dma_start3A_77, %dma_start3A_78] : memref<3x96x128xf32, #tpu.memory_space<vmem>> -> memref<1x96x128xf32, #tpu.memory_space<vmem>>
    %dma_start3A_80 = tpu.memref_squeeze %dma_start3A_79 : memref<1x96x128xf32, #tpu.memory_space<vmem>> -> memref<96x128xf32, #tpu.memory_space<vmem>>
    tpu.enqueue_dma source(%dma_start3A_80 : memref<96x128xf32, #tpu.memory_space<vmem>>) target(%dma_start3A_76 : memref<96x128xf32, #tpu.memory_space<hbm>>) target_semaphore(%arg8 : memref<!tpu.dma_semaphore, #tpu.memory_space<semaphore_mem>>)
    %dma_wait3A_81 = arith.constant 2 : i32
    %dma_wait3A_82 = arith.constant 0 : i32
    %dma_wait3A_83 = arith.constant 0 : i32
    %dma_wait3A_84 = tpu.memref_slice %arg6[%dma_wait3A_81, %dma_wait3A_82, %dma_wait3A_83] : memref<3x96x128xf32, #tpu.memory_space<vmem>> -> memref<1x96x128xf32, #tpu.memory_space<vmem>>
    %dma_wait3A_85 = tpu.memref_squeeze %dma_wait3A_84 : memref<1x96x128xf32, #tpu.memory_space<vmem>> -> memref<96x128xf32, #tpu.memory_space<vmem>>
    %dma_wait3A_86 = arith.constant 192 : i32
    %dma_wait3A_87 = tpu.memref_slice %arg5[%dma_wait3A_86] : memref<288xi32, #tpu.memory_space<vmem>> -> memref<96xi32, #tpu.memory_space<vmem>>
    %dma_wait3A_88 = arith.constant 0 : i32
    %dma_wait3A_89 = arith.constant 0 : i32
    %dma_wait3A_90 = tpu.memref_slice %arg3[%dma_wait3A_88, %dma_wait3A_89] : memref<1024x128xf32, #tpu.memory_space<hbm>> -> memref<1024x128xf32, #tpu.memory_space<hbm>>
    tpu.wait_indirect_dma semaphore(%arg7 : memref<!tpu.dma_semaphore, #tpu.memory_space<semaphore_mem>>) src(%dma_wait3A_90 : memref<1024x128xf32, #tpu.memory_space<hbm>>) dst(%dma_wait3A_85 : memref<96x128xf32, #tpu.memory_space<vmem>>)
    %add3A_91 = arith.constant 192 : i32
    %add3A_92 = arith.addi %mul3A_2, %add3A_91 : i32
    %dma_start3A_93 = arith.constant 2 : i32
    %dma_start3A_94 = arith.constant 0 : i32
    %dma_start3A_95 = arith.constant 0 : i32
    %dma_start3A_96 = tpu.memref_slice %arg6[%dma_start3A_93, %dma_start3A_94, %dma_start3A_95] : memref<3x96x128xf32, #tpu.memory_space<vmem>> -> memref<1x96x128xf32, #tpu.memory_space<vmem>>
    %dma_start3A_97 = tpu.memref_squeeze %dma_start3A_96 : memref<1x96x128xf32, #tpu.memory_space<vmem>> -> memref<96x128xf32, #tpu.memory_space<vmem>>
    %dma_start3A_98 = arith.constant 0 : i32
    %dma_start3A_99 = tpu.memref_slice %arg4[%add3A_92, %dma_start3A_98] : memref<9216x128xf32, #tpu.memory_space<hbm>> -> memref<96x128xf32, #tpu.memory_space<hbm>>
    %dma_start3A_100 = arith.constant 0 : i32
    %dma_start3A_101 = tpu.memref_slice %arg4[%add3A_92, %dma_start3A_100] : memref<9216x128xf32, #tpu.memory_space<hbm>> -> memref<96x128xf32, #tpu.memory_space<hbm>>
    %dma_start3A_102 = arith.constant 0 : i32
    %dma_start3A_103 = arith.constant 0 : i32
    %dma_start3A_104 = tpu.memref_slice %arg6[%dma_start3A_93, %dma_start3A_102, %dma_start3A_103] : memref<3x96x128xf32, #tpu.memory_space<vmem>> -> memref<1x96x128xf32, #tpu.memory_space<vmem>>
    %dma_start3A_105 = tpu.memref_squeeze %dma_start3A_104 : memref<1x96x128xf32, #tpu.memory_space<vmem>> -> memref<96x128xf32, #tpu.memory_space<vmem>>
    tpu.enqueue_dma source(%dma_start3A_105 : memref<96x128xf32, #tpu.memory_space<vmem>>) target(%dma_start3A_101 : memref<96x128xf32, #tpu.memory_space<hbm>>) target_semaphore(%arg8 : memref<!tpu.dma_semaphore, #tpu.memory_space<semaphore_mem>>)
    %dma_wait3A_106 = arith.constant 0 : i32
    %dma_wait3A_107 = arith.constant 0 : i32
    %dma_wait3A_108 = arith.constant 0 : i32
    %dma_wait3A_109 = tpu.memref_slice %arg6[%dma_wait3A_106, %dma_wait3A_107, %dma_wait3A_108] : memref<3x96x128xf32, #tpu.memory_space<vmem>> -> memref<1x96x128xf32, #tpu.memory_space<vmem>>
    %dma_wait3A_110 = tpu.memref_squeeze %dma_wait3A_109 : memref<1x96x128xf32, #tpu.memory_space<vmem>> -> memref<96x128xf32, #tpu.memory_space<vmem>>
    %dma_wait3A_111 = arith.constant 0 : i32
    %dma_wait3A_112 = tpu.memref_slice %arg4[%add3A_42, %dma_wait3A_111] : memref<9216x128xf32, #tpu.memory_space<hbm>> -> memref<96x128xf32, #tpu.memory_space<hbm>>
    %dma_wait3A_113 = arith.constant 0 : i32
    %dma_wait3A_114 = tpu.memref_slice %arg4[%add3A_42, %dma_wait3A_113] : memref<9216x128xf32, #tpu.memory_space<hbm>> -> memref<96x128xf32, #tpu.memory_space<hbm>>
    %dma_wait3A_115 = arith.constant 0 : i32
    %dma_wait3A_116 = arith.constant 0 : i32
    %dma_wait3A_117 = tpu.memref_slice %arg6[%dma_wait3A_106, %dma_wait3A_115, %dma_wait3A_116] : memref<3x96x128xf32, #tpu.memory_space<vmem>> -> memref<1x96x128xf32, #tpu.memory_space<vmem>>
    %dma_wait3A_118 = tpu.memref_squeeze %dma_wait3A_117 : memref<1x96x128xf32, #tpu.memory_space<vmem>> -> memref<96x128xf32, #tpu.memory_space<vmem>>
    tpu.wait_dma2 semaphore(%arg8 : memref<!tpu.dma_semaphore, #tpu.memory_space<semaphore_mem>>) src(%dma_wait3A_118 : memref<96x128xf32, #tpu.memory_space<vmem>>) dst(%dma_wait3A_114 : memref<96x128xf32, #tpu.memory_space<hbm>>)
    %dma_wait3A_119 = arith.constant 1 : i32
    %dma_wait3A_120 = arith.constant 0 : i32
    %dma_wait3A_121 = arith.constant 0 : i32
    %dma_wait3A_122 = tpu.memref_slice %arg6[%dma_wait3A_119, %dma_wait3A_120, %dma_wait3A_121] : memref<3x96x128xf32, #tpu.memory_space<vmem>> -> memref<1x96x128xf32, #tpu.memory_space<vmem>>
    %dma_wait3A_123 = tpu.memref_squeeze %dma_wait3A_122 : memref<1x96x128xf32, #tpu.memory_space<vmem>> -> memref<96x128xf32, #tpu.memory_space<vmem>>
    %dma_wait3A_124 = arith.constant 0 : i32
    %dma_wait3A_125 = tpu.memref_slice %arg4[%add3A_67, %dma_wait3A_124] : memref<9216x128xf32, #tpu.memory_space<hbm>> -> memref<96x128xf32, #tpu.memory_space<hbm>>
    %dma_wait3A_126 = arith.constant 0 : i32
    %dma_wait3A_127 = tpu.memref_slice %arg4[%add3A_67, %dma_wait3A_126] : memref<9216x128xf32, #tpu.memory_space<hbm>> -> memref<96x128xf32, #tpu.memory_space<hbm>>
    %dma_wait3A_128 = arith.constant 0 : i32
    %dma_wait3A_129 = arith.constant 0 : i32
    %dma_wait3A_130 = tpu.memref_slice %arg6[%dma_wait3A_119, %dma_wait3A_128, %dma_wait3A_129] : memref<3x96x128xf32, #tpu.memory_space<vmem>> -> memref<1x96x128xf32, #tpu.memory_space<vmem>>
    %dma_wait3A_131 = tpu.memref_squeeze %dma_wait3A_130 : memref<1x96x128xf32, #tpu.memory_space<vmem>> -> memref<96x128xf32, #tpu.memory_space<vmem>>
    tpu.wait_dma2 semaphore(%arg8 : memref<!tpu.dma_semaphore, #tpu.memory_space<semaphore_mem>>) src(%dma_wait3A_131 : memref<96x128xf32, #tpu.memory_space<vmem>>) dst(%dma_wait3A_127 : memref<96x128xf32, #tpu.memory_space<hbm>>)
    %dma_wait3A_132 = arith.constant 2 : i32
    %dma_wait3A_133 = arith.constant 0 : i32
    %dma_wait3A_134 = arith.constant 0 : i32
    %dma_wait3A_135 = tpu.memref_slice %arg6[%dma_wait3A_132, %dma_wait3A_133, %dma_wait3A_134] : memref<3x96x128xf32, #tpu.memory_space<vmem>> -> memref<1x96x128xf32, #tpu.memory_space<vmem>>
    %dma_wait3A_136 = tpu.memref_squeeze %dma_wait3A_135 : memref<1x96x128xf32, #tpu.memory_space<vmem>> -> memref<96x128xf32, #tpu.memory_space<vmem>>
    %dma_wait3A_137 = arith.constant 0 : i32
    %dma_wait3A_138 = tpu.memref_slice %arg4[%add3A_92, %dma_wait3A_137] : memref<9216x128xf32, #tpu.memory_space<hbm>> -> memref<96x128xf32, #tpu.memory_space<hbm>>
    %dma_wait3A_139 = arith.constant 0 : i32
    %dma_wait3A_140 = tpu.memref_slice %arg4[%add3A_92, %dma_wait3A_139] : memref<9216x128xf32, #tpu.memory_space<hbm>> -> memref<96x128xf32, #tpu.memory_space<hbm>>
    %dma_wait3A_141 = arith.constant 0 : i32
    %dma_wait3A_142 = arith.constant 0 : i32
    %dma_wait3A_143 = tpu.memref_slice %arg6[%dma_wait3A_132, %dma_wait3A_141, %dma_wait3A_142] : memref<3x96x128xf32, #tpu.memory_space<vmem>> -> memref<1x96x128xf32, #tpu.memory_space<vmem>>
    %dma_wait3A_144 = tpu.memref_squeeze %dma_wait3A_143 : memref<1x96x128xf32, #tpu.memory_space<vmem>> -> memref<96x128xf32, #tpu.memory_space<vmem>>
    tpu.wait_dma2 semaphore(%arg8 : memref<!tpu.dma_semaphore, #tpu.memory_space<semaphore_mem>>) src(%dma_wait3A_144 : memref<96x128xf32, #tpu.memory_space<vmem>>) dst(%dma_wait3A_140 : memref<96x128xf32, #tpu.memory_space<hbm>>)
    return
  }
}

module attributes {stable_mosaic.version = 14 : i64} {
  func.func @_assign_body(%arg0: i32, %arg1: memref<2304x64xf32, #tpu.memory_space<vmem>>, %arg2: memref<1024x64xf32, #tpu.memory_space<vmem>>, %arg3: memref<1x1x2304xi32, #tpu.memory_space<vmem>>) attributes {dimension_semantics = [#tpu.dimension_semantics<arbitrary>], iteration_bounds = array<i64: 4>, scalar_prefetch = 0 : i64, scratch_operands = 0 : i64, tpu.core_type = #tpu.core_type<tc>, window_params = [{transform_indices = @transform_0, window_bounds = array<i64: 2304, 64>}, {pipeline_mode = #tpu.pipeline_mode<synchronous>, transform_indices = @transform_1, window_bounds = array<i64: 1024, 64>}, {transform_indices = @transform_2, window_bounds = array<i64: 1, 1, 2304>}]} {
    %get3A = arith.constant 0 : index
    %get3A_0 = arith.constant 0 : index
    %get3A_1 = vector.load %arg1[%get3A, %get3A_0] : memref<2304x64xf32, #tpu.memory_space<vmem>>, vector<2304x64xf32>
    %get3A_2 = arith.constant 0 : index
    %get3A_3 = arith.constant 0 : index
    %get3A_4 = vector.load %arg2[%get3A_2, %get3A_3] : memref<1024x64xf32, #tpu.memory_space<vmem>>, vector<1024x64xf32>
    %mul3A = arith.constant -2.000000e+00 : f32
    %mul3A_5 = vector.broadcast %mul3A : f32 to vector<2304x64xf32>
    %mul3A_6 = arith.mulf %get3A_1, %mul3A_5 : vector<2304x64xf32>
    %dot_general3A = arith.constant dense<0.000000e+00> : vector<1024x2304xf32>
    %dot_general3A_7 = tpu.matmul %get3A_4, %mul3A_6, %dot_general3A {dimension_numbers = #tpu.dot_dimension_numbers<[1], [1], [0], [0], [0, 0, 1, 0], [], []>, transpose_lhs_hint = false} : vector<1024x64xf32>, vector<2304x64xf32>, vector<1024x2304xf32> -> vector<1024x2304xf32>
    %mul3A_8 = arith.mulf %get3A_1, %get3A_1 : vector<2304x64xf32>
    %reduce_sum3A = arith.constant dense<0.000000e+00> : vector<2304xf32>
    %reduce_sum3A_9 = vector.multi_reduction <add>, %mul3A_8, %reduce_sum3A [1] : vector<2304x64xf32> to vector<2304xf32>
    %broadcast_in_dim3A = vector.shape_cast %reduce_sum3A_9 : vector<2304xf32> to vector<1x2304xf32>
    %add3A = vector.broadcast %broadcast_in_dim3A : vector<1x2304xf32> to vector<1024x2304xf32>
    %add3A_10 = arith.addf %dot_general3A_7, %add3A : vector<1024x2304xf32>
    %mul3A_11 = arith.mulf %get3A_4, %get3A_4 : vector<1024x64xf32>
    %reduce_sum3A_12 = arith.constant dense<0.000000e+00> : vector<1024xf32>
    %reduce_sum3A_13 = vector.multi_reduction <add>, %mul3A_11, %reduce_sum3A_12 [1] : vector<1024x64xf32> to vector<1024xf32>
    %broadcast_in_dim3A_14 = vector.shape_cast %reduce_sum3A_13 : vector<1024xf32> to vector<1024x1xf32>
    %add3A_15 = vector.broadcast %broadcast_in_dim3A_14 : vector<1024x1xf32> to vector<1024x2304xf32>
    %add3A_16 = arith.addf %add3A_10, %add3A_15 : vector<1024x2304xf32>
    %argmin3A = tpu.reduce_index %add3A_16 {axis = 0 : i32, kind = #tpu.reduction_kind<arg_min>} : vector<1024x2304xf32> -> vector<2304xi32>
    %swap3A = arith.constant 0 : index
    %swap3A_17 = arith.constant 0 : index
    %swap3A_18 = arith.constant 0 : index
    %swap3A_19 = vector.load %arg3[%swap3A, %swap3A_17, %swap3A_18] : memref<1x1x2304xi32, #tpu.memory_space<vmem>>, vector<1x1x2304xi32>
    %swap3A_20 = vector.shape_cast %swap3A_19 : vector<1x1x2304xi32> to vector<2304xi32>
    %swap3A_21 = vector.shape_cast %argmin3A : vector<2304xi32> to vector<1x1x2304xi32>
    tpu.vector_store %arg3[%swap3A, %swap3A_17, %swap3A_18], %swap3A_21 {strides = array<i32>} : memref<1x1x2304xi32, #tpu.memory_space<vmem>>, vector<1x1x2304xi32>,
    return
  }
  func.func @transform_0(%arg0: i32) -> (i32, i32) {
    %c0_i32 = arith.constant 0 : i32
    %c0_i32_0 = arith.constant 0 : i32
    return %arg0, %c0_i32 : i32, i32
  }
  func.func @transform_1(%arg0: i32) -> (i32, i32) {
    %c0_i32 = arith.constant 0 : i32
    %c0_i32_0 = arith.constant 0 : i32
    %c0_i32_1 = arith.constant 0 : i32
    return %c0_i32, %c0_i32_0 : i32, i32
  }
  func.func @transform_2(%arg0: i32) -> (i32, i32, i32) {
    %c0_i32 = arith.constant 0 : i32
    %c0_i32_0 = arith.constant 0 : i32
    %c0_i32_1 = arith.constant 0 : i32
    return %arg0, %c0_i32, %c0_i32_0 : i32, i32, i32
  }
}

</mosaic_0001>

<sc_bundles>
// kernel: kernel.6.cloned.1.call-start
scs
__scs_entry_jumppad:
0x0: {  	(pc) =	sbr.rel $0x88, $3  }
0x1: {  	(tag) =	ssettag $0x0;
	lr =	simm.s32 $0x1  }
0x2: {  	[smem:$0x3F9F] =	sst lr;
	_ =	strace $0xD0000000  }
0x3: {  	_ = 	snop  }
0x4: {  	_ = 	snop  }
0x5: {  	_ = 	snop  }
0x6: {  	_ = 	snop  }
0x7: {  	_ = 	snop  }
__scs_overlays_trampoline_lowered:
0x8: {  	[smem:$0x3FAE] =	sst s0  }
0x9: {  	[smem:$0x3FAF] =	sst s1  }
0xa: {  	[smem:$0x3FB0] =	sst s2  }
0xb: {  	[smem:$0x3FB1] =	sst s3  }
0xc: {  	[smem:$0x3FB2] =	sst s4  }
0xd: {  	[smem:$0x3FB3] =	sst s5  }
0xe: {  	[smem:$0x3FB4] =	sst s6  }
0xf: {  	[smem:$0x3FB5] =	sst s7  }
0x10: {  	[smem:$0x3FB6] =	sst s8  }
0x11: {  	[smem:$0x3FB7] =	sst s9;
	s0 =	simm.s32 @!p0 $0x0  }
0x12: {  	s1 =	sld [smem:$0x3F9D];
	s0 =	simm.s32 @p0 $0x1  }
0x13: {  	[smem:$0x3FB8] =	sst s0;
	s0 =	simm.s32 @!p1 $0x0  }
0x14: {  	s2 =	sld [smem:$0x3F9C];
	s0 =	simm.s32 @p1 $0x1  }
0x15: {  	[smem:$0x3FB9] =	sst s0;
	s0 =	simm.s32 @!p2 $0x0  }
0x16: {  	s3 =	sld [smem:$0x3FDB];
	s0 =	simm.s32 @p2 $0x1  }
0x17: {  	s4 =	simm.s32 $0x1BF5;
	[smem:$0x3FBB] =	sst s0  }
0x18: {  	s0 =	sld [smem:$0x3F9E];
	_ =	swait.ge [sflag:s4], $0x0  }
0x19: {  	s7 =	sld [smem:$0x3F9F]  }
0x1a: {  	s8 =	sadd.s32 $0xFFFFE003, lr  }
0x1b: {  	s9 =	sadd.s32 $0xFFFFFEF7, lr;
	s5 =	simm.s32 $0xFFFFFFFF;
	p2 =	slt.u32 s8, $0xFFFFF086  }
0x1c: {  	p1 =	slt.u32 s9, $0xF7A;
	s5 =	simm.s32 @!p2 $0x0  }
0x1d: {  	s5 =	simm.s32 @p1 $0x1;
	p0 =	seq.s32 s7, s2  }
0x1e: {  	s7 =	smul.u32 @!p0 $0xF7A, s2;
	p2 =	seq.s32 @!p0 s5, $0x0  }
0x1f: {  	s9 =	smul.u32 $0xF7A, s1;
	s8 =	simm.s32 @!p0 $0x1BF5;
	p2 =	por !p2, p0  }
0x20: {  	[sflag:s8] =	ssyncset.s32 @!p0 $0xFFFFF086;
	s6 =	sadd.s32 @!p0 s3, s7;
	s7 =	simm.s32 @!p0 $0x108  }
0x21: {  	s3 =	sadd.s32 s3, s9;
	s6 =	sadd.s32 @!p0 $0x88, s6;
	s7 =	simm.s32 @p2 $0x1082  }
0x22: {  	[simem:s7], [sflag:s8] =	dma.local @!p0 [hbm:s6], $0xF7A  }
0x23: {  	s9 =	sor.u32 $0xD0000000, s2;
	s6 =	simm.s32 $0x108;
	_ =	swait.ge @!p0 [sflag:s8], $0x0  }
0x24: {  	s3 =	sadd.s32 $0x88, s3;
	s6 =	simm.s32 @!p1 $0x1082;
	[sflag:s4] =	ssyncset.s32 $0xFFFFF086  }
0x25: {  	[simem:s6], [sflag:s4] =	dma.local [hbm:s3], $0xF7A  }
0x26: {  	[smem:$0x3F9F] =	sst s1;
	(tag) =	ssettag s2;
	_ =	strace s9  }
0x27: {  	s1 =	sld [smem:$0x3FAF]  }
0x28: {  	s2 =	sld [smem:$0x3FB0]  }
0x29: {  	s4 =	sld [smem:$0x3FB2]  }
0x2a: {  	p0 =	seq.s32 s5, $0x0;
	s5 =	sld [smem:$0x3FB3]  }
0x2b: {  	s6 =	sld [smem:$0x3FB4]  }
0x2c: {  	s7 =	sld [smem:$0x3FB5]  }
0x2d: {  	s3 =	simm.s32 $0x108;
	s8 =	sld [smem:$0x3FB6]  }
0x2e: {  	s3 =	simm.s32 @!p0 $0x1082;
	s9 =	sld [smem:$0x3FB7]  }
0x2f: {  	lr =	sadd.s32 s0, s3;
	s0 =	sld [smem:$0x3FAE]  }
0x30: {  	s3 =	sld [smem:$0x3FB1]  }
0x31: {  	[smem:$0x3FBA] =	sst s10  }
0x32: {  	s10 =	sld [smem:$0x3FB8];
	_ =	sdelay $0x3  }
0x33: {  	p0 =	seq.s32 s10, $0x1;
	s10 =	sld [smem:$0x3FBA];
	_ =	sdelay $0x3  }
0x34: {  	[smem:$0x3FBA] =	sst s10  }
0x35: {  	s10 =	sld [smem:$0x3FB9];
	_ =	sdelay $0x3  }
0x36: {  	p1 =	seq.s32 s10, $0x1;
	s10 =	sld [smem:$0x3FBA];
	_ =	sdelay $0x3  }
0x37: {  	[smem:$0x3FBA] =	sst s10  }
0x38: {  	s10 =	sld [smem:$0x3FBB]  }
0x39: {  	_ = 	snop;
	(pc) =	sbr.ind lr, $3  }
0x3a: {  	_ = 	snop  }
0x3b: {  	_ = 	snop  }
0x3c: {  	p2 =	seq.s32 s10, $0x1;
	s10 =	sld [smem:$0x3FBA]  }
0x3d: {  	_ =	shalt  }
0x3e: {  	_ =	shalt  }
0x3f: {  	_ =	shalt  }
0x40: {  	_ =	shalt  }
0x41: {  	_ =	shalt  }
0x42: {  	_ =	shalt  }
0x43: {  	_ =	shalt  }
0x44: {  	_ =	shalt  }
0x45: {  	_ =	shalt  }
0x46: {  	_ =	shalt  }
0x47: {  	_ =	shalt  }
0x48: {  	_ =	shalt  }
0x49: {  	_ =	shalt  }
0x4a: {  	_ =	shalt  }
0x4b: {  	_ =	shalt  }
0x4c: {  	_ =	shalt  }
0x4d: {  	_ =	shalt  }
0x4e: {  	_ =	shalt  }
0x4f: {  	_ =	shalt  }
0x50: {  	_ =	shalt  }
0x51: {  	_ =	shalt  }
0x52: {  	_ =	shalt  }
0x53: {  	_ =	shalt  }
0x54: {  	_ =	shalt  }
0x55: {  	_ =	shalt  }
0x56: {  	_ =	shalt  }
0x57: {  	_ =	shalt  }
0x58: {  	_ =	shalt  }
0x59: {  	_ =	shalt  }
0x5a: {  	_ =	shalt  }
0x5b: {  	_ =	shalt  }
0x5c: {  	_ =	shalt  }
0x5d: {  	_ =	shalt  }
0x5e: {  	_ =	shalt  }
0x5f: {  	_ =	shalt  }
0x60: {  	_ =	shalt  }
0x61: {  	_ =	shalt  }
0x62: {  	_ =	shalt  }
0x63: {  	_ =	shalt  }
0x64: {  	_ =	shalt  }
0x65: {  	_ =	shalt  }
0x66: {  	_ =	shalt  }
0x67: {  	_ =	shalt  }
0x68: {  	_ =	shalt  }
0x69: {  	_ =	shalt  }
0x6a: {  	_ =	shalt  }
0x6b: {  	_ =	shalt  }
0x6c: {  	_ =	shalt  }
0x6d: {  	_ =	shalt  }
0x6e: {  	_ =	shalt  }
0x6f: {  	_ =	shalt  }
0x70: {  	_ =	shalt  }
0x71: {  	_ =	shalt  }
0x72: {  	_ =	shalt  }
0x73: {  	_ =	shalt  }
0x74: {  	_ =	shalt  }
0x75: {  	_ =	shalt  }
0x76: {  	_ =	shalt  }
0x77: {  	_ =	shalt  }
0x78: {  	_ =	shalt  }
0x79: {  	_ =	shalt  }
0x7a: {  	_ =	shalt  }
0x7b: {  	_ =	shalt  }
0x7c: {  	_ =	shalt  }
0x7d: {  	_ =	shalt  }
0x7e: {  	_ =	shalt  }
0x7f: {  	_ =	shalt  }
0x80: {  	_ =	shalt  }
0x81: {  	_ =	shalt  }
0x82: {  	_ =	shalt  }
0x83: {  	_ =	shalt  }
0x84: {  	_ =	shalt  }
0x85: {  	_ =	shalt  }
0x86: {  	_ =	shalt  }
0x87: {  	_ =	shalt  }
.Lfunc_end0:
.L_simem_size_0:
called_computation_lowered:
.L_overlay_start_0:
0x88: {  	s2 =	sld [smem:$0x3FD9]  }
0x89: {  	s3 =	sld [smem:$0x3FFE];
	_ =	sdelay $0x1  }
0x8a: {  	s1 =	srdreg.scid  }
0x8b: {  	s0 =	sand.u32 $0x1, s1  }
0x8c: {  	s15 =	sshll.u32 s0, $0xA;
	s2 =	sadd.s32 s3, s2  }
0x8d: {  	s2 =	sadd.s32 s2, s15  }
0x8e: {  	[smem:$0x3FC6] =	sst s2  }
0x8f: {  	_ = 	snop  }
0x90: {  	s2 =	sld [smem:$0x3FD0];
	_ =	sdelay $0x2  }
0x91: {  	s16 =	simm.s32 $0xB;
	s4 =	simm.s32 $0x10  }
0x92: {  	[smem:s4], [sflag:s16] =	dma.local [hbm:s2], $0x1  }
0x93: {  	_ =	swait.eq [sflag:s16], $0x1  }
0x94: {  	[sflag:s16] =	ssyncset.done $0x0  }
0x95: {  	[sflag:s16] =	ssyncadd.s32 $0xFFFFFFFF  }
0x96: {  	s17 =	sld [smem:$0x11];
	(tm) =	ssettm $0x1  }
0x97: {  	s18 =	sld [smem:$0x3FFB];
	_ =	sdelay $0x3  }
0x98: {  	_ =	strace s18  }
0x99: {  	s2 =	sld [smem:$0x3FFC];
	_ =	sdelay $0x3  }
0x9a: {  	_ =	strace s2  }
0x9b: {  	s2 =	sld [smem:$0x3FFD];
	_ =	sdelay $0x3  }
0x9c: {  	_ =	strace s2  }
0x9d: {  	_ =	strace $0x8FFFFFFF  }
0x9e: {  	s19 =	sld [smem:$0x3FDB];
	_ =	sdelay $0x1  }
0x9f: {  	s20 =	simm.s32 $_scs_section_size  }
0xa0: {  	s5 =	simm.s32 $_size__tile_overlayer_lowered;
	s6 =	simm.s32 $_tile_overlayer_lowered  }
0xa1: {  	s7 =	simm.s32 $0x1BFF;
	s21 =	sshll.u32 s6, $0x1;
	s4 =	sadd.s32 s20, s19  }
0xa2: {  	s22 =	simm.s32 $0x0;
	s5 =	sshll.u32 s5, $0x1;
	s6 =	sadd.s32 s21, s4  }
0xa3: {  	[timem:s22], [sflag:s7] =	dma.local [hbm:s6], s5  }
0xa4: {  	_ =	swait.ge [sflag:s7], s5  }
0xa5: {  	s5 =	ssub.s32 $0x0, s5;
	[sflag:s7] =	ssyncset.done $0x0  }
0xa6: {  	[sflag:s7] =	ssyncadd.s32 s5;
	_ =	sdelay $0x1  }
0xa7: {  	s23 =	simm.s32 $0x1B8B  }
0xa8: {  	_ =	swait.ge [sflag:s23], $0x1  }
0xa9: {  	[sflag:s23] =	ssyncset.done $0x0  }
0xaa: {  	[sflag:s23] =	ssyncadd.s32 $0xFFFFFFFF  }
0xab: {  	s5 =	sld [smem:$0x0]  }
0xac: {  	s6 =	sand.u32 $0xFFFFFFFE, s1  }
0xad: {  	p0 =	sne.s32 s1, s6  }
0xae: {  	s6 =	sshll.u32 @p0 s6, $0xE  }
0xaf: {  	s6 =	sadd.s32 @p0 $0x11B8D, s6;
	s7 =	sshll.u32 @p0 s5, $0x11  }
0xb0: {  	s6 =	sor.u32 @p0 s7, s6  }
0xb1: {  	[sflag:s6] =	ssyncadd.remote.s32 @p0 $0x1;
	_ =	sdelay $0x1  }
0xb2: {  	s6 =	simm.s32 @p0 $0x1B8D  }
0xb3: {  	_ =	swait.eq @p0 [sflag:s6], $0x1  }
0xb4: {  	[sflag:s6] =	ssyncadd.s32 @p0 $0xFFFFFFFF  }
0xb5: {  	s7 =	sshll.u32 @!p0 s1, $0xE  }
0xb6: {  	s7 =	sor.u32 @!p0 $0x4000, s7;
	s6 =	simm.s32 @!p0 $0x1B8D  }
0xb7: {  	s5 =	sshll.u32 @!p0 s5, $0x11;
	s7 =	sadd.s32 @!p0 $0x11B8D, s7;
	_ =	swait.eq @!p0 [sflag:s6], $0x1  }
0xb8: {  	s5 =	sor.u32 @!p0 s5, s7;
	[sflag:s6] =	ssyncadd.s32 @!p0 $0xFFFFFFFF  }
0xb9: {  	s25 =	simm.s32 $0x1B8E;
	s24 =	sld [smem:$0x3FFE];
	[sflag:s5] =	ssyncadd.remote.s32 @!p0 $0x1  }
0xba: {  	s26 =	simm.s32 $execute0_lowered;
	[smem:$0x3FD2] =	sst s25  }
0xbb: {  	s6 =	sshll.u32 s26, $0x1;
	_ =	strace $0x80000049;
	[dreg:$0x1] =	wrdreg $0xFFFFFFFF  }
0xbc: {  	s28 =	simm.s32 $_size_execute0_lowered;
	s4 =	sadd.s32 s4, s6;
	[dreg:$0x0] =	wrdreg $0x0  }
0xbd: {  	s6 =	sshll.u32 s28, $0x1;
	[dreg:$0x2] =	wrdreg s4  }
0xbe: {  	[dreg:$0x3] =	wrdreg s6  }
0xbf: {  	[dreg:$0x4] =	wrdreg $0xC0  }
0xc0: {  	_ =	task [dreg:s22], $0x5FFFF  }
0xc1: {  	[dreg:$0x1] =	wrdreg $0xFFFFFFFF  }
0xc2: {  	[dreg:$0x0] =	wrdreg $0x60  }
0xc3: {  	[dreg:$0x2] =	wrdreg s24  }
0xc4: {  	[dreg:$0x3] =	wrdreg s17  }
0xc5: {  	[dreg:$0x4] =	wrdreg $0x9  }
0xc6: {  	_ =	task.clear_ibuf [dreg:s22], $0x5FFFF;
	_ =	strace $0x90000049  }
0xc7: {  	s29 =	simm.s32 $0x9;
	_ =	strace $0x8000004B  }
0xc8: {  	_ =	swait.ge [sflag:s29], $0x1  }
0xc9: {  	[sflag:s29] =	ssyncadd.s32 $0xFFFFFFFF  }
0xca: {  	_ =	strace $0x9000004B  }
0xcb: {  	_ =	sfence  }
0xcc: {  	s30 =	sld [smem:$0x0];
	_ =	sdelay $0x2  }
0xcd: {  	s31 =	sshll.u32 s1, $0xD;
	s1 =	sshrl.u32 s1, $0x2  }
0xce: {  	s4 =	sand.u32 $0x4000, s31;
	s1 =	sadd.s32 s1, s30  }
0xcf: {  	s0 =	sor.u32 s4, s0;
	s1 =	sshll.u32 s1, $0x11  }
0xd0: {  	s0 =	sor.u32 s1, s0  }
0xd1: {  	s0 =	sadd.s32 $0x8F2B, s0  }
0xd2: {  	[sflag:s0] =	ssyncadd.remote.s32 $0x1  }
0xd3: {  	_ =	sfence.sel $0xFFFF  }
0xd4: {  	[dreg:$0x0] =	wrdreg $0xFFFFFFFF;
	(pc) =	sbr.abs _section_cstart, $3  }
0xd5: {  	[dreg:$0x1] =	wrdreg $0xFFFFFFFF  }
0xd6: {  	_ =	task.clear_ibuf [dreg:s22], $0x2FFFF;
	_ =	strace $0x9FFFFFFF  }
0xd7: {  	(tm) =	ssettm $0x7FFFFFFF  }
tec
execute0_lowered:
.L_overlay_start_1:
0x0: {  	(tag) =	ssettag $0x1  }
0x1: {  	s1 =	srdreg.scid;
	s0 =	stileid.u32  }
0x2: {  	s16 =	sand.u32 $0x1, s1;
	s31 =	sshll.u32 s0, $0x1  }
0x3: {  	s13 =	sor.u32 s16, s31  }
0x4: {  	s5 =	rddreg [dreg:$0x0];
	s3 =	smul.u32 $0x24, s13  }
0x5: {  	s14 =	rddreg [dreg:$0x1];
	s2 =	simm.s32 $0x0  }
0x6: {  	s4 =	simm.s32 $0x3;
	[smem:$0x7FF] =	sst s2;
	s3 =	sadd.s32 s3, s5  }
0x7: {  	s1 =	rddreg [dreg:$0x2];
	_ =	strace $0x8000004A;
	s3 =	sadd.s32 $0x29800, s3  }
0x8: {  	[tilespmem:s2], [sflag:$0x3] =	stream.linear.gather [hbm4b:s3+s2], $0x120, $0x38;
	[tilespmem:$0x9180] =	vst v63  }
0x9: {  	_ =	swait.ge [sflag:s4], $0x120  }
0xa: {  	s6 =	simm.s32 $0x60;
	[sflag:s4] =	ssyncset.done $0x0  }
0xb: {  	s7 =	simm.s32 $0x180;
	s5 =	sadd.s32 $0x1200, s5;
	[sflag:s4] =	ssyncadd.s32 $0xFFFFFEE0  }
0xc: {  	[tilespmem:s7], [sflag:$0x1] =	stream.indirect.gather [hbm4b:s5+s6], $0x80, s2, s6, $0xb8;
	[tilespmem:$0x9180] =	vst v63  }
0xd: {  	s8 =	simm.s32 $0x3180  }
0xe: {  	[tilespmem:s8], [sflag:$0x1] =	stream.indirect.gather [hbm4b:s5+s6], $0x80, s6, s6, $0xb8;
	[tilespmem:$0x9180] =	vst v63  }
0xf: {  	s9 =	simm.s32 $0xC0;
	s10 =	simm.s32 $0x6180;
	s11 =	simm.s32 $0x1  }
0x10: {  	[tilespmem:s10], [sflag:$0x1] =	stream.indirect.gather [hbm4b:s5+s6], $0x80, s9, s6, $0xb8;
	[tilespmem:$0x9180] =	vst v63  }
0x11: {  	s12 =	smul.u32 $0x1200, s13;
	_ =	swait.ge [sflag:s11], $0x3000  }
0x12: {  	[sflag:s11] =	ssyncset.done $0x0  }
0x13: {  	s13 =	smul.u32 $0x9000, s13;
	s12 =	sadd.s32 s14, s12;
	[sflag:s11] =	ssyncadd.s32 $0xFFFFD000  }
0x14: {  	[hbm4b:s12+s2] =	stream.linear.scatter [tilespmem:s7], [sflag:$0x2], $0x3000, $0x38;
	[tilespmem:$0x9180] =	vst v63  }
0x15: {  	s13 =	sshrl.u32 s13, $0x3;
	_ =	swait.ge [sflag:s11], $0x3000  }
0x16: {  	s14 =	sadd.s32 s14, s13;
	[sflag:s11] =	ssyncset.done $0x0  }
0x17: {  	s13 =	sadd.s32 $0x600, s14;
	[sflag:s11] =	ssyncadd.s32 $0xFFFFD000  }
0x18: {  	[hbm4b:s13+s2] =	stream.linear.scatter [tilespmem:s8], [sflag:$0x2], $0x3000, $0x38;
	[tilespmem:$0x9180] =	vst v63  }
0x19: {  	s16 =	ssub.s32 $0x2, s16;
	_ =	swait.ge [sflag:s11], $0x3000  }
0x1a: {  	s17 =	sshrl.u32 s16, $0x1;
	[sflag:s11] =	ssyncset.done $0x0  }
0x1b: {  	s15 =	sadd.s32 $0xC00, s14;
	s14 =	simm.s32 $0x2;
	[sflag:s11] =	ssyncadd.s32 $0xFFFFD000  }
0x1c: {  	[hbm4b:s15+s2] =	stream.linear.scatter [tilespmem:s10], [sflag:$0x2], $0x3000, $0x38;
	[tilespmem:$0x9180] =	vst v63  }
0x1d: {  	s16 =	ssub.s32 s16, s17;
	_ =	swait.ge [sflag:s14], $0x3000  }
0x1e: {  	s16 =	smax.u32 s16, $0x1;
	[sflag:s14] =	ssyncset.done $0x0  }
0x1f: {  	p0 =	sne.s32 s16, $0x1;
	[sflag:s14] =	ssyncadd.s32 $0xFFFFD000  }
.Ltmp0:
0x20: {  	_ =	swait.ge [sflag:s14], $0x3000;
	(pc) =	sbr.rel @!p0 .LBB2_2-.Ltmp0, $4  }
0x21: {  	[sflag:s14] =	ssyncset.done $0x0  }
0x22: {  	[sflag:s14] =	ssyncadd.s32 $0xFFFFD000  }
0x23: {  	_ =	swait.ge [sflag:s14], $0x3000  }
0x24: {  	s16 =	sadd.s32 $0xFFFFFFFF, s16;
	[sflag:s14] =	ssyncset.done $0x0  }
.LBB2_1:
0x25: {  	p0 =	sne.s32 s16, $0x1;
	s16 =	sadd.s32 $0xFFFFFFFF, s16;
	[sflag:s14] =	ssyncadd.s32 $0xFFFFD000  }
0x26: {  	[tilespmem:s2], [sflag:$0x3] =	stream.linear.gather [hbm4b:s3+s2], $0x120, $0x38;
	[tilespmem:$0x9180] =	vst v63  }
0x27: {  	_ =	swait.ge [sflag:s4], $0x120  }
0x28: {  	[sflag:s4] =	ssyncset.done $0x0  }
0x29: {  	[sflag:s4] =	ssyncadd.s32 $0xFFFFFEE0  }
0x2a: {  	[tilespmem:s7], [sflag:$0x1] =	stream.indirect.gather [hbm4b:s5+s6], $0x80, s2, s6, $0xb8;
	[tilespmem:$0x9180] =	vst v63  }
0x2b: {  	_ = 	snop  }
0x2c: {  	[tilespmem:s8], [sflag:$0x1] =	stream.indirect.gather [hbm4b:s5+s6], $0x80, s6, s6, $0xb8;
	[tilespmem:$0x9180] =	vst v63  }
0x2d: {  	_ = 	snop  }
0x2e: {  	[tilespmem:s10], [sflag:$0x1] =	stream.indirect.gather [hbm4b:s5+s6], $0x80, s9, s6, $0xb8;
	[tilespmem:$0x9180] =	vst v63  }
0x2f: {  	_ =	swait.ge [sflag:s11], $0x3000  }
0x30: {  	[sflag:s11] =	ssyncset.done $0x0  }
0x31: {  	[sflag:s11] =	ssyncadd.s32 $0xFFFFD000  }
0x32: {  	[hbm4b:s12+s2] =	stream.linear.scatter [tilespmem:s7], [sflag:$0x2], $0x3000, $0x38;
	[tilespmem:$0x9180] =	vst v63  }
0x33: {  	_ =	swait.ge [sflag:s11], $0x3000  }
0x34: {  	[sflag:s11] =	ssyncset.done $0x0  }
0x35: {  	[sflag:s11] =	ssyncadd.s32 $0xFFFFD000  }
0x36: {  	[hbm4b:s13+s2] =	stream.linear.scatter [tilespmem:s8], [sflag:$0x2], $0x3000, $0x38;
	[tilespmem:$0x9180] =	vst v63  }
0x37: {  	_ =	swait.ge [sflag:s11], $0x3000  }
0x38: {  	[sflag:s11] =	ssyncset.done $0x0  }
0x39: {  	[sflag:s11] =	ssyncadd.s32 $0xFFFFD000  }
0x3a: {  	[hbm4b:s15+s2] =	stream.linear.scatter [tilespmem:s10], [sflag:$0x2], $0x3000, $0x38;
	[tilespmem:$0x9180] =	vst v63  }
0x3b: {  	_ =	swait.ge [sflag:s14], $0x3000  }
0x3c: {  	[sflag:s14] =	ssyncset.done $0x0  }
0x3d: {  	[sflag:s14] =	ssyncadd.s32 $0xFFFFD000  }
.Ltmp1:
0x3e: {  	_ =	swait.ge [sflag:s14], $0x3000;
	(pc) =	sbr.rel @p0 .LBB2_1-.Ltmp1, $4  }
0x3f: {  	[sflag:s14] =	ssyncset.done $0x0  }
0x40: {  	[sflag:s14] =	ssyncadd.s32 $0xFFFFD000  }
0x41: {  	_ =	swait.ge [sflag:s14], $0x3000  }
0x42: {  	[sflag:s14] =	ssyncset.done $0x0  }
.LBB2_2:
0x43: {  	[sflag:s14] =	ssyncadd.s32 $0xFFFFD000  }
0x44: {  	_ =	sfence.sel $0x180000  }
0x45: {  	[bflag:$0x0] =	sbarrier.arrive $0xFFFF  }
0x46: {  	p0 =	sne.s32 s0, $0x0;
	_ =	strace $0x9000004A  }
0x47: {  	s0 =	sadd.s32 @!p0 $0x100000, s1;
	[bflag:$0x2] =	sbarrier.arrive $0xFFFF  }
0x48: {  	[sflag:s0] =	ssyncadd.tile.s32 @!p0 $0x1;
	_ =	shalt  }
.Lfunc_end2:
_tile_overlayer_lowered:
.L_overlay_start_2:
0x49: {  	(tag) =	ssettag $0x2  }
0x4a: {  	s0 =	rddreg [dreg:$0x0];
	s2 =	stileid.u32  }
0x4b: {  	s1 =	rddreg [dreg:$0x1];
	p0 =	sne.s32 s2, $0x0  }
0x4c: {  	s3 =	rddreg [dreg:$0x2];
	[bflag:$0x3] =	sbarrier.arrive $0xFFFF;
	s2 =	simm.s32 @!p0 $0x1C03  }
0x4d: {  	[timem:s3], [sflag:s2] =	dma.local @!p0 [hbm:s0], s1  }
0x4e: {  	s0 =	simm.s32 @!p0 $0x3  }
0x4f: {  	_ =	swait.ge @!p0 [sflag:s0], s1  }
0x50: {  	s1 =	ssub.s32 @!p0 $0x0, s1;
	[sflag:s0] =	ssyncset.done @!p0 $0x0  }
0x51: {  	[sflag:s0] =	ssyncadd.s32 @!p0 s1  }
0x52: {  	[bflag:$0x3] =	sbarrier.arrive $0xFFFF  }
0x53: {  	_ =	shalt  }

// kernel: kernel.9.cloned.1.call-start
scs
__scs_entry_jumppad:
0x0: {  	(pc) =	sbr.rel $0x88, $3  }
0x1: {  	(tag) =	ssettag $0x0;
	lr =	simm.s32 $0x1  }
0x2: {  	[smem:$0x3F9F] =	sst lr;
	_ =	strace $0xD0000000  }
0x3: {  	_ = 	snop  }
0x4: {  	_ = 	snop  }
0x5: {  	_ = 	snop  }
0x6: {  	_ = 	snop  }
0x7: {  	_ = 	snop  }
__scs_overlays_trampoline_lowered:
0x8: {  	[smem:$0x3FAE] =	sst s0  }
0x9: {  	[smem:$0x3FAF] =	sst s1  }
0xa: {  	[smem:$0x3FB0] =	sst s2  }
0xb: {  	[smem:$0x3FB1] =	sst s3  }
0xc: {  	[smem:$0x3FB2] =	sst s4  }
0xd: {  	[smem:$0x3FB3] =	sst s5  }
0xe: {  	[smem:$0x3FB4] =	sst s6  }
0xf: {  	[smem:$0x3FB5] =	sst s7  }
0x10: {  	[smem:$0x3FB6] =	sst s8  }
0x11: {  	[smem:$0x3FB7] =	sst s9;
	s0 =	simm.s32 @!p0 $0x0  }
0x12: {  	s1 =	sld [smem:$0x3F9D];
	s0 =	simm.s32 @p0 $0x1  }
0x13: {  	[smem:$0x3FB8] =	sst s0;
	s0 =	simm.s32 @!p1 $0x0  }
0x14: {  	s2 =	sld [smem:$0x3F9C];
	s0 =	simm.s32 @p1 $0x1  }
0x15: {  	[smem:$0x3FB9] =	sst s0;
	s0 =	simm.s32 @!p2 $0x0  }
0x16: {  	s3 =	sld [smem:$0x3FDB];
	s0 =	simm.s32 @p2 $0x1  }
0x17: {  	s4 =	simm.s32 $0x1BF5;
	[smem:$0x3FBB] =	sst s0  }
0x18: {  	s0 =	sld [smem:$0x3F9E];
	_ =	swait.ge [sflag:s4], $0x0  }
0x19: {  	s7 =	sld [smem:$0x3F9F]  }
0x1a: {  	s8 =	sadd.s32 $0xFFFFE003, lr  }
0x1b: {  	s9 =	sadd.s32 $0xFFFFFEF7, lr;
	s5 =	simm.s32 $0xFFFFFFFF;
	p2 =	slt.u32 s8, $0xFFFFF086  }
0x1c: {  	p1 =	slt.u32 s9, $0xF7A;
	s5 =	simm.s32 @!p2 $0x0  }
0x1d: {  	s5 =	simm.s32 @p1 $0x1;
	p0 =	seq.s32 s7, s2  }
0x1e: {  	s7 =	smul.u32 @!p0 $0xF7A, s2;
	p2 =	seq.s32 @!p0 s5, $0x0  }
0x1f: {  	s9 =	smul.u32 $0xF7A, s1;
	s8 =	simm.s32 @!p0 $0x1BF5;
	p2 =	por !p2, p0  }
0x20: {  	[sflag:s8] =	ssyncset.s32 @!p0 $0xFFFFF086;
	s6 =	sadd.s32 @!p0 s3, s7;
	s7 =	simm.s32 @!p0 $0x108  }
0x21: {  	s3 =	sadd.s32 s3, s9;
	s6 =	sadd.s32 @!p0 $0x88, s6;
	s7 =	simm.s32 @p2 $0x1082  }
0x22: {  	[simem:s7], [sflag:s8] =	dma.local @!p0 [hbm:s6], $0xF7A  }
0x23: {  	s9 =	sor.u32 $0xD0000000, s2;
	s6 =	simm.s32 $0x108;
	_ =	swait.ge @!p0 [sflag:s8], $0x0  }
0x24: {  	s3 =	sadd.s32 $0x88, s3;
	s6 =	simm.s32 @!p1 $0x1082;
	[sflag:s4] =	ssyncset.s32 $0xFFFFF086  }
0x25: {  	[simem:s6], [sflag:s4] =	dma.local [hbm:s3], $0xF7A  }
0x26: {  	[smem:$0x3F9F] =	sst s1;
	(tag) =	ssettag s2;
	_ =	strace s9  }
0x27: {  	s1 =	sld [smem:$0x3FAF]  }
0x28: {  	s2 =	sld [smem:$0x3FB0]  }
0x29: {  	s4 =	sld [smem:$0x3FB2]  }
0x2a: {  	p0 =	seq.s32 s5, $0x0;
	s5 =	sld [smem:$0x3FB3]  }
0x2b: {  	s6 =	sld [smem:$0x3FB4]  }
0x2c: {  	s7 =	sld [smem:$0x3FB5]  }
0x2d: {  	s3 =	simm.s32 $0x108;
	s8 =	sld [smem:$0x3FB6]  }
0x2e: {  	s3 =	simm.s32 @!p0 $0x1082;
	s9 =	sld [smem:$0x3FB7]  }
0x2f: {  	lr =	sadd.s32 s0, s3;
	s0 =	sld [smem:$0x3FAE]  }
0x30: {  	s3 =	sld [smem:$0x3FB1]  }
0x31: {  	[smem:$0x3FBA] =	sst s10  }
0x32: {  	s10 =	sld [smem:$0x3FB8];
	_ =	sdelay $0x3  }
0x33: {  	p0 =	seq.s32 s10, $0x1;
	s10 =	sld [smem:$0x3FBA];
	_ =	sdelay $0x3  }
0x34: {  	[smem:$0x3FBA] =	sst s10  }
0x35: {  	s10 =	sld [smem:$0x3FB9];
	_ =	sdelay $0x3  }
0x36: {  	p1 =	seq.s32 s10, $0x1;
	s10 =	sld [smem:$0x3FBA];
	_ =	sdelay $0x3  }
0x37: {  	[smem:$0x3FBA] =	sst s10  }
0x38: {  	s10 =	sld [smem:$0x3FBB]  }
0x39: {  	_ = 	snop;
	(pc) =	sbr.ind lr, $3  }
0x3a: {  	_ = 	snop  }
0x3b: {  	_ = 	snop  }
0x3c: {  	p2 =	seq.s32 s10, $0x1;
	s10 =	sld [smem:$0x3FBA]  }
0x3d: {  	_ =	shalt  }
0x3e: {  	_ =	shalt  }
0x3f: {  	_ =	shalt  }
0x40: {  	_ =	shalt  }
0x41: {  	_ =	shalt  }
0x42: {  	_ =	shalt  }
0x43: {  	_ =	shalt  }
0x44: {  	_ =	shalt  }
0x45: {  	_ =	shalt  }
0x46: {  	_ =	shalt  }
0x47: {  	_ =	shalt  }
0x48: {  	_ =	shalt  }
0x49: {  	_ =	shalt  }
0x4a: {  	_ =	shalt  }
0x4b: {  	_ =	shalt  }
0x4c: {  	_ =	shalt  }
0x4d: {  	_ =	shalt  }
0x4e: {  	_ =	shalt  }
0x4f: {  	_ =	shalt  }
0x50: {  	_ =	shalt  }
0x51: {  	_ =	shalt  }
0x52: {  	_ =	shalt  }
0x53: {  	_ =	shalt  }
0x54: {  	_ =	shalt  }
0x55: {  	_ =	shalt  }
0x56: {  	_ =	shalt  }
0x57: {  	_ =	shalt  }
0x58: {  	_ =	shalt  }
0x59: {  	_ =	shalt  }
0x5a: {  	_ =	shalt  }
0x5b: {  	_ =	shalt  }
0x5c: {  	_ =	shalt  }
0x5d: {  	_ =	shalt  }
0x5e: {  	_ =	shalt  }
0x5f: {  	_ =	shalt  }
0x60: {  	_ =	shalt  }
0x61: {  	_ =	shalt  }
0x62: {  	_ =	shalt  }
0x63: {  	_ =	shalt  }
0x64: {  	_ =	shalt  }
0x65: {  	_ =	shalt  }
0x66: {  	_ =	shalt  }
0x67: {  	_ =	shalt  }
0x68: {  	_ =	shalt  }
0x69: {  	_ =	shalt  }
0x6a: {  	_ =	shalt  }
0x6b: {  	_ =	shalt  }
0x6c: {  	_ =	shalt  }
0x6d: {  	_ =	shalt  }
0x6e: {  	_ =	shalt  }
0x6f: {  	_ =	shalt  }
0x70: {  	_ =	shalt  }
0x71: {  	_ =	shalt  }
0x72: {  	_ =	shalt  }
0x73: {  	_ =	shalt  }
0x74: {  	_ =	shalt  }
0x75: {  	_ =	shalt  }
0x76: {  	_ =	shalt  }
0x77: {  	_ =	shalt  }
0x78: {  	_ =	shalt  }
0x79: {  	_ =	shalt  }
0x7a: {  	_ =	shalt  }
0x7b: {  	_ =	shalt  }
0x7c: {  	_ =	shalt  }
0x7d: {  	_ =	shalt  }
0x7e: {  	_ =	shalt  }
0x7f: {  	_ =	shalt  }
0x80: {  	_ =	shalt  }
0x81: {  	_ =	shalt  }
0x82: {  	_ =	shalt  }
0x83: {  	_ =	shalt  }
0x84: {  	_ =	shalt  }
0x85: {  	_ =	shalt  }
0x86: {  	_ =	shalt  }
0x87: {  	_ =	shalt  }
.Lfunc_end0:
.L_simem_size_0:
called_computation.1_lowered:
.L_overlay_start_0:
0x88: {  	s2 =	sld [smem:$0x3FD9]  }
0x89: {  	s3 =	sld [smem:$0x3FFE];
	_ =	sdelay $0x1  }
0x8a: {  	s1 =	srdreg.scid  }
0x8b: {  	s0 =	sand.u32 $0x1, s1  }
0x8c: {  	s16 =	sshll.u32 s0, $0xA;
	s2 =	sadd.s32 s3, s2  }
0x8d: {  	s2 =	sadd.s32 s2, s16  }
0x8e: {  	[smem:$0x3FC6] =	sst s2  }
0x8f: {  	_ = 	snop  }
0x90: {  	(tm) =	ssettm $0x1  }
0x91: {  	s17 =	sld [smem:$0x3FFB];
	_ =	sdelay $0x3  }
0x92: {  	_ =	strace s17  }
0x93: {  	s2 =	sld [smem:$0x3FFC];
	_ =	sdelay $0x3  }
0x94: {  	_ =	strace s2  }
0x95: {  	s2 =	sld [smem:$0x3FFD];
	_ =	sdelay $0x3  }
0x96: {  	_ =	strace s2  }
0x97: {  	_ =	strace $0x8FFFFFFF  }
0x98: {  	s18 =	sld [smem:$0x3FDB];
	_ =	sdelay $0x1  }
0x99: {  	s19 =	simm.s32 $_scs_section_size  }
0x9a: {  	s4 =	simm.s32 $_size__tile_overlayer_lowered;
	s5 =	simm.s32 $_tile_overlayer_lowered  }
0x9b: {  	s22 =	simm.s32 $0x1BFF;
	s21 =	sshll.u32 s5, $0x1;
	s2 =	sadd.s32 s19, s18  }
0x9c: {  	s6 =	simm.s32 $0x0;
	s20 =	sshll.u32 s4, $0x1;
	s4 =	sadd.s32 s21, s2  }
0x9d: {  	[timem:s6], [sflag:s22] =	dma.local [hbm:s4], s20  }
0x9e: {  	_ =	swait.ge [sflag:s22], s20  }
0x9f: {  	s3 =	ssub.s32 $0x0, s20;
	[sflag:s22] =	ssyncset.done $0x0  }
0xa0: {  	[sflag:s22] =	ssyncadd.s32 s3;
	_ =	sdelay $0x1  }
0xa1: {  	s23 =	simm.s32 $0x1B8B  }
0xa2: {  	_ =	swait.ge [sflag:s23], $0x1  }
0xa3: {  	[sflag:s23] =	ssyncset.done $0x0  }
0xa4: {  	s25 =	simm.s32 $0x1B8E;
	s24 =	sld [smem:$0x3FFE];
	[sflag:s23] =	ssyncadd.s32 $0xFFFFFFFF  }
0xa5: {  	s26 =	simm.s32 $execute0_lowered;
	[smem:$0x3FD2] =	sst s25  }
0xa6: {  	s4 =	sshll.u32 s26, $0x1;
	_ =	strace $0x80000046;
	[dreg:$0x1] =	wrdreg $0xFFFFFFFF  }
0xa7: {  	s28 =	simm.s32 $_size_execute0_lowered;
	s2 =	sadd.s32 s2, s4;
	[dreg:$0x0] =	wrdreg $0x0  }
0xa8: {  	s4 =	sshll.u32 s28, $0x1;
	[dreg:$0x2] =	wrdreg s2  }
0xa9: {  	[dreg:$0x3] =	wrdreg s4  }
0xaa: {  	[dreg:$0x4] =	wrdreg $0xC0  }
0xab: {  	_ =	task [dreg:s6], $0x5FFFF  }
0xac: {  	[dreg:$0x1] =	wrdreg $0xFFFFFFFF  }
0xad: {  	[dreg:$0x0] =	wrdreg $0x60  }
0xae: {  	[dreg:$0x2] =	wrdreg s24  }
0xaf: {  	[dreg:$0x3] =	wrdreg $0xA  }
0xb0: {  	_ =	task.clear_ibuf [dreg:s6], $0x4FFFF;
	_ =	strace $0x90000046  }
0xb1: {  	s29 =	simm.s32 $0xA;
	_ =	strace $0x80000048  }
0xb2: {  	_ =	swait.ge [sflag:s29], $0x1  }
0xb3: {  	[sflag:s29] =	ssyncadd.s32 $0xFFFFFFFF  }
0xb4: {  	_ =	strace $0x90000048  }
0xb5: {  	_ =	sfence  }
0xb6: {  	s30 =	sld [smem:$0x0];
	_ =	sdelay $0x2  }
0xb7: {  	s31 =	sshll.u32 s1, $0xD;
	s1 =	sshrl.u32 s1, $0x2  }
0xb8: {  	s3 =	sand.u32 $0x4000, s31;
	s1 =	sadd.s32 s1, s30  }
0xb9: {  	s0 =	sor.u32 s3, s0;
	s1 =	sshll.u32 s1, $0x11  }
0xba: {  	s0 =	sor.u32 s1, s0  }
0xbb: {  	s0 =	sadd.s32 $0x8F2B, s0  }
0xbc: {  	[sflag:s0] =	ssyncadd.remote.s32 $0x1  }
0xbd: {  	_ =	sfence.sel $0xFFFF  }
0xbe: {  	[dreg:$0x0] =	wrdreg $0xFFFFFFFF;
	(pc) =	sbr.abs _section_cstart, $3  }
0xbf: {  	[dreg:$0x1] =	wrdreg $0xFFFFFFFF  }
0xc0: {  	_ =	task.clear_ibuf [dreg:s6], $0x2FFFF;
	_ =	strace $0x9FFFFFFF  }
0xc1: {  	(tm) =	ssettm $0x7FFFFFFF  }
tec
execute0_lowered:
.L_overlay_start_1:
0x0: {  	(tag) =	ssettag $0x1  }
0x1: {  	s1 =	srdreg.scid;
	s0 =	stileid.u32  }
0x2: {  	s16 =	sand.u32 $0x1, s1;
	s30 =	sshll.u32 s0, $0x1  }
0x3: {  	s13 =	sor.u32 s16, s30  }
0x4: {  	s3 =	smul.u32 $0x24, s13  }
0x5: {  	s12 =	rddreg [dreg:$0x0];
	s2 =	simm.s32 $0x0  }
0x6: {  	s4 =	simm.s32 $0x3;
	[smem:$0x7FF] =	sst s2;
	s3 =	sadd.s32 s3, s12  }
0x7: {  	s1 =	rddreg [dreg:$0x1];
	_ =	strace $0x80000047;
	s3 =	sadd.s32 $0x5200, s3  }
0x8: {  	[tilespmem:s2], [sflag:$0x3] =	stream.linear.gather [hbm4b:s3+s2], $0x120, $0x38;
	[tilespmem:$0x9180] =	vst v63  }
0x9: {  	_ =	swait.ge [sflag:s4], $0x120  }
0xa: {  	s6 =	simm.s32 $0x60;
	[sflag:s4] =	ssyncset.done $0x0  }
0xb: {  	s7 =	simm.s32 $0x180;
	s5 =	sadd.s32 $0x1200, s12;
	[sflag:s4] =	ssyncadd.s32 $0xFFFFFEE0  }
0xc: {  	[tilespmem:s7], [sflag:$0x1] =	stream.indirect.gather [hbm4b:s5+s6], $0x80, s2, s6, $0xb8;
	[tilespmem:$0x9180] =	vst v63  }
0xd: {  	s8 =	simm.s32 $0x3180  }
0xe: {  	[tilespmem:s8], [sflag:$0x1] =	stream.indirect.gather [hbm4b:s5+s6], $0x80, s6, s6, $0xb8;
	[tilespmem:$0x9180] =	vst v63  }
0xf: {  	s9 =	simm.s32 $0xC0;
	s10 =	simm.s32 $0x6180;
	s11 =	simm.s32 $0x1  }
0x10: {  	[tilespmem:s10], [sflag:$0x1] =	stream.indirect.gather [hbm4b:s5+s6], $0x80, s9, s6, $0xb8;
	[tilespmem:$0x9180] =	vst v63  }
0x11: {  	s14 =	smul.u32 $0x1200, s13;
	_ =	swait.ge [sflag:s11], $0x3000  }
0x12: {  	s15 =	sadd.s32 $0x5800, s12;
	[sflag:s11] =	ssyncset.done $0x0  }
0x13: {  	s13 =	smul.u32 $0x9000, s13;
	s12 =	sadd.s32 s15, s14;
	[sflag:s11] =	ssyncadd.s32 $0xFFFFD000  }
0x14: {  	[hbm4b:s12+s2] =	stream.linear.scatter [tilespmem:s7], [sflag:$0x2], $0x3000, $0x38;
	[tilespmem:$0x9180] =	vst v63  }
0x15: {  	s13 =	sshrl.u32 s13, $0x3;
	_ =	swait.ge [sflag:s11], $0x3000  }
0x16: {  	s31 =	sadd.s32 s15, s13;
	[sflag:s11] =	ssyncset.done $0x0  }
0x17: {  	s13 =	sadd.s32 $0x600, s31;
	[sflag:s11] =	ssyncadd.s32 $0xFFFFD000  }
0x18: {  	[hbm4b:s13+s2] =	stream.linear.scatter [tilespmem:s8], [sflag:$0x2], $0x3000, $0x38;
	[tilespmem:$0x9180] =	vst v63  }
0x19: {  	s16 =	ssub.s32 $0x2, s16;
	_ =	swait.ge [sflag:s11], $0x3000  }
0x1a: {  	s17 =	sshrl.u32 s16, $0x1;
	[sflag:s11] =	ssyncset.done $0x0  }
0x1b: {  	s14 =	simm.s32 $0x2;
	s15 =	sadd.s32 $0xC00, s31;
	[sflag:s11] =	ssyncadd.s32 $0xFFFFD000  }
0x1c: {  	[hbm4b:s15+s2] =	stream.linear.scatter [tilespmem:s10], [sflag:$0x2], $0x3000, $0x38;
	[tilespmem:$0x9180] =	vst v63  }
0x1d: {  	s16 =	ssub.s32 s16, s17;
	_ =	swait.ge [sflag:s14], $0x3000  }
0x1e: {  	s16 =	smax.u32 s16, $0x1;
	[sflag:s14] =	ssyncset.done $0x0  }
0x1f: {  	p0 =	sne.s32 s16, $0x1;
	[sflag:s14] =	ssyncadd.s32 $0xFFFFD000  }
.Ltmp0:
0x20: {  	_ =	swait.ge [sflag:s14], $0x3000;
	(pc) =	sbr.rel @!p0 .LBB2_2-.Ltmp0, $4  }
0x21: {  	[sflag:s14] =	ssyncset.done $0x0  }
0x22: {  	[sflag:s14] =	ssyncadd.s32 $0xFFFFD000  }
0x23: {  	_ =	swait.ge [sflag:s14], $0x3000  }
0x24: {  	s16 =	sadd.s32 $0xFFFFFFFF, s16;
	[sflag:s14] =	ssyncset.done $0x0  }
.LBB2_1:
0x25: {  	p0 =	sne.s32 s16, $0x1;
	s16 =	sadd.s32 $0xFFFFFFFF, s16;
	[sflag:s14] =	ssyncadd.s32 $0xFFFFD000  }
0x26: {  	[tilespmem:s2], [sflag:$0x3] =	stream.linear.gather [hbm4b:s3+s2], $0x120, $0x38;
	[tilespmem:$0x9180] =	vst v63  }
0x27: {  	_ =	swait.ge [sflag:s4], $0x120  }
0x28: {  	[sflag:s4] =	ssyncset.done $0x0  }
0x29: {  	[sflag:s4] =	ssyncadd.s32 $0xFFFFFEE0  }
0x2a: {  	[tilespmem:s7], [sflag:$0x1] =	stream.indirect.gather [hbm4b:s5+s6], $0x80, s2, s6, $0xb8;
	[tilespmem:$0x9180] =	vst v63  }
0x2b: {  	_ = 	snop  }
0x2c: {  	[tilespmem:s8], [sflag:$0x1] =	stream.indirect.gather [hbm4b:s5+s6], $0x80, s6, s6, $0xb8;
	[tilespmem:$0x9180] =	vst v63  }
0x2d: {  	_ = 	snop  }
0x2e: {  	[tilespmem:s10], [sflag:$0x1] =	stream.indirect.gather [hbm4b:s5+s6], $0x80, s9, s6, $0xb8;
	[tilespmem:$0x9180] =	vst v63  }
0x2f: {  	_ =	swait.ge [sflag:s11], $0x3000  }
0x30: {  	[sflag:s11] =	ssyncset.done $0x0  }
0x31: {  	[sflag:s11] =	ssyncadd.s32 $0xFFFFD000  }
0x32: {  	[hbm4b:s12+s2] =	stream.linear.scatter [tilespmem:s7], [sflag:$0x2], $0x3000, $0x38;
	[tilespmem:$0x9180] =	vst v63  }
0x33: {  	_ =	swait.ge [sflag:s11], $0x3000  }
0x34: {  	[sflag:s11] =	ssyncset.done $0x0  }
0x35: {  	[sflag:s11] =	ssyncadd.s32 $0xFFFFD000  }
0x36: {  	[hbm4b:s13+s2] =	stream.linear.scatter [tilespmem:s8], [sflag:$0x2], $0x3000, $0x38;
	[tilespmem:$0x9180] =	vst v63  }
0x37: {  	_ =	swait.ge [sflag:s11], $0x3000  }
0x38: {  	[sflag:s11] =	ssyncset.done $0x0  }
0x39: {  	[sflag:s11] =	ssyncadd.s32 $0xFFFFD000  }
0x3a: {  	[hbm4b:s15+s2] =	stream.linear.scatter [tilespmem:s10], [sflag:$0x2], $0x3000, $0x38;
	[tilespmem:$0x9180] =	vst v63  }
0x3b: {  	_ =	swait.ge [sflag:s14], $0x3000  }
0x3c: {  	[sflag:s14] =	ssyncset.done $0x0  }
0x3d: {  	[sflag:s14] =	ssyncadd.s32 $0xFFFFD000  }
.Ltmp1:
0x3e: {  	_ =	swait.ge [sflag:s14], $0x3000;
	(pc) =	sbr.rel @p0 .LBB2_1-.Ltmp1, $4  }
0x3f: {  	[sflag:s14] =	ssyncset.done $0x0  }
0x40: {  	[sflag:s14] =	ssyncadd.s32 $0xFFFFD000  }
0x41: {  	_ =	swait.ge [sflag:s14], $0x3000  }
0x42: {  	[sflag:s14] =	ssyncset.done $0x0  }
.LBB2_2:
0x43: {  	[sflag:s14] =	ssyncadd.s32 $0xFFFFD000  }
0x44: {  	_ =	sfence.sel $0x180000  }
0x45: {  	[bflag:$0x0] =	sbarrier.arrive $0xFFFF  }
0x46: {  	p0 =	sne.s32 s0, $0x0;
	_ =	strace $0x90000047  }
0x47: {  	s0 =	sadd.s32 @!p0 $0x100000, s1;
	[bflag:$0x2] =	sbarrier.arrive $0xFFFF  }
0x48: {  	[sflag:s0] =	ssyncadd.tile.s32 @!p0 $0x1;
	_ =	shalt  }
.Lfunc_end2:
_tile_overlayer_lowered:
.L_overlay_start_2:
0x49: {  	(tag) =	ssettag $0x2  }
0x4a: {  	s0 =	rddreg [dreg:$0x0];
	s2 =	stileid.u32  }
0x4b: {  	s1 =	rddreg [dreg:$0x1];
	p0 =	sne.s32 s2, $0x0  }
0x4c: {  	s3 =	rddreg [dreg:$0x2];
	[bflag:$0x3] =	sbarrier.arrive $0xFFFF;
	s2 =	simm.s32 @!p0 $0x1C03  }
0x4d: {  	[timem:s3], [sflag:s2] =	dma.local @!p0 [hbm:s0], s1  }
0x4e: {  	s0 =	simm.s32 @!p0 $0x3  }
0x4f: {  	_ =	swait.ge @!p0 [sflag:s0], s1  }
0x50: {  	s1 =	ssub.s32 @!p0 $0x0, s1;
	[sflag:s0] =	ssyncset.done @!p0 $0x0  }
0x51: {  	[sflag:s0] =	ssyncadd.s32 @!p0 s1  }
0x52: {  	[bflag:$0x3] =	sbarrier.arrive $0xFFFF  }
0x53: {  	_ =	shalt  }

</sc_bundles>
